<compile_context>
chip_gen: v7x
topology: tpu7x:2x2x1
jax: 0.10.2.dev20260603
libtpu: 0.0.44.dev20260713+nightly
codegen_flags: <defaults>
</compile_context>

<pallas_src>
import functools

import numpy as np
import jax
import jax.numpy as jnp
from jax import lax
from jax.experimental import pallas as pl
from jax.experimental.pallas import tpu as pltpu
from jax.experimental.pallas import tpu_sc as plsc

NS = 16
NV = 4
SH = 9
WN = NS * NS + NS * NV
TP_W = 32

NW = 32
CH = 40
VB = 1000
BE = 6400


def _sel_matrices():
    r = np.zeros((NS, WN), np.float32)
    for c in range(NS * NS):
        r[c // NS, c] = 1.0
    for c in range(NS * NV):
        r[c // NV, NS * NS + c] = 1.0
    s = np.zeros((WN, TP_W), np.float32)
    norm = 1.0 / np.sqrt(float(NS))
    for i in range(NS):
        for m in range(NS):
            s[i * NS + m, m] = norm
        for m in range(NV):
            for k in range(3):
                s[NS * NS + i * NV + m, NS + m * 3 + k] = norm
    q = np.zeros((SH, TP_W), np.float32)
    q[0, :NS] = 1.0
    for m in range(NV):
        for k in range(3):
            q[1 + k, NS + m * 3 + k] = 1.0
    return jnp.asarray(r), jnp.asarray(s), jnp.asarray(q)



def _gather_body(node_hbm, ei_hbm, x_hbm, idx_v, rows_v, sem):
    wid = lax.axis_index("s") * 2 + lax.axis_index("c")
    epw = idx_v.shape[0]
    base = wid * epw
    pltpu.sync_copy(ei_hbm.at[1, pl.ds(base, epw)], idx_v)
    nch = epw // CH

    def fire(j, carry):
        pltpu.async_copy(node_hbm.at[idx_v.at[pl.ds(j * CH, CH)]],
                         rows_v.at[pl.ds(j * CH, CH)], sem)
        return carry

    def drain(j, carry):
        pltpu.make_async_copy(node_hbm.at[idx_v.at[pl.ds(j * CH, CH)]],
                              rows_v.at[pl.ds(j * CH, CH)], sem).wait()
        return carry

    lax.fori_loop(0, nch, fire, 0)
    lax.fori_loop(0, nch, drain, 0)
    pltpu.sync_copy(rows_v, x_hbm.at[wid, :, pl.ds(0, NS)])


def _gather(node_attr, edge_index):
    epw = edge_index.shape[1] // NW
    mesh = plsc.VectorSubcoreMesh(core_axis_name="c", subcore_axis_name="s")
    k = functools.partial(
        pl.kernel,
        out_type=jax.ShapeDtypeStruct((NW, epw, 128), jnp.float32),
        mesh=mesh,
        compiler_params=pltpu.CompilerParams(use_tc_tiling_on_sc=False),
        scratch_types=[
            pltpu.VMEM((epw,), jnp.int32),
            pltpu.VMEM((epw, NS), jnp.float32),
            pltpu.SemaphoreType.DMA,
        ],
    )(_gather_body)
    return k(node_attr, edge_index)



def _scatter_body(tp_hbm, ei_hbm, out_hbm, idx_v, vals_v, zrow_v, acc_sh,
                  isem, vsem, ssem):
    cid = lax.axis_index("c")
    sid = lax.axis_index("s")
    wid = sid * 2 + cid
    stripe = acc_sh.shape[0] // 16
    nch = idx_v.shape[0]
    base = wid * nch * CH

    def ifire(j, carry):
        pltpu.async_copy(ei_hbm.at[0, pl.ds(base + j * CH, CH)],
                         idx_v.at[j], isem)
        return carry

    def idrain(j, carry):
        pltpu.make_async_copy(ei_hbm.at[0, pl.ds(base + j * CH, CH)],
                              idx_v.at[j], isem).wait()
        return carry

    lax.fori_loop(0, nch, ifire, 0)

    def zb(j, carry):
        zrow_v[j, pl.ds(0, 16)] = jnp.zeros((16,), jnp.float32)
        zrow_v[j, pl.ds(16, 16)] = jnp.zeros((16,), jnp.float32)
        return carry

    lax.fori_loop(0, stripe, zb, 0)
    pltpu.sync_copy(zrow_v, acc_sh.at[pl.ds(sid * stripe, stripe)])
    lax.fori_loop(0, nch, idrain, 0)
    plsc.subcore_barrier()

    nvb = tp_hbm.shape[1]
    pltpu.async_copy(tp_hbm.at[wid, 0, :, pl.ds(0, TP_W)], vals_v.at[0], vsem)

    def body(cc, carry):
        buf = lax.rem(cc, 2)
        pltpu.make_async_copy(tp_hbm.at[wid, 0, :, pl.ds(0, TP_W)],
                              vals_v.at[0], vsem).wait()

        @pl.when(cc + 1 < nvb)
        def _():
            pltpu.async_copy(tp_hbm.at[wid, cc + 1, :, pl.ds(0, TP_W)],
                             vals_v.at[lax.rem(cc + 1, 2)], vsem)

        def ifire2(kk, icarry):
            pltpu.make_async_copy(
                vals_v.at[buf, pl.ds(kk * CH, CH)],
                acc_sh.at[idx_v.at[cc * (VB // CH) + kk]],
                ssem).start(add=True)
            return icarry

        def idrain2(kk, icarry):
            pltpu.make_async_copy(
                vals_v.at[buf, pl.ds(kk * CH, CH)],
                acc_sh.at[idx_v.at[cc * (VB // CH) + kk]],
                ssem).wait()
            return icarry

        lax.fori_loop(0, VB // CH, ifire2, 0)
        lax.fori_loop(0, VB // CH, idrain2, 0)
        return carry

    lax.fori_loop(0, nvb, body, 0)
    plsc.subcore_barrier()
    pltpu.sync_copy(acc_sh.at[pl.ds(sid * stripe, stripe)],
                    out_hbm.at[cid, pl.ds(sid * stripe, stripe),
                               pl.ds(0, TP_W)])


def _scatter(tp4, edge_index, n_nodes):
    epw = edge_index.shape[1] // NW
    mesh = plsc.VectorSubcoreMesh(core_axis_name="c", subcore_axis_name="s")
    k = functools.partial(
        pl.kernel,
        out_type=jax.ShapeDtypeStruct((2, n_nodes, 128), jnp.float32),
        mesh=mesh,
        compiler_params=pltpu.CompilerParams(use_tc_tiling_on_sc=False),
        scratch_types=[
            pltpu.VMEM((epw // CH, CH), jnp.int32),
            pltpu.VMEM((2, VB, TP_W), jnp.float32),
            pltpu.VMEM((n_nodes // 16, TP_W), jnp.float32),
            pltpu.VMEM_SHARED((n_nodes, TP_W), jnp.float32),
            pltpu.SemaphoreType.DMA,
            pltpu.SemaphoreType.DMA,
            pltpu.SemaphoreType.DMA,
        ],
    )(_scatter_body)
    return k(tp4, edge_index)



def _tp_body(ea_ref, x_ref, sh_ref, w1t_ref, b1_ref, w2t_ref, b2_ref,
             r_ref, s_ref, q_ref, out_ref):
    hp = lax.Precision.DEFAULT
    c00 = (((0,), (0,)), ((), ()))
    ht = jnp.maximum(
        jnp.dot(w1t_ref[...], ea_ref[...], precision=hp,
                preferred_element_type=jnp.float32) + b1_ref[...], 0.0)
    wt = jnp.dot(w2t_ref[...], ht, precision=hp,
                 preferred_element_type=jnp.float32) + b2_ref[...]
    x16 = x_ref[:, :NS]
    xrt = lax.dot_general(r_ref[...], x16, (((0,), (1,)), ((), ())),
                          precision=hp, preferred_element_type=jnp.float32)
    a = lax.dot_general(xrt * wt, s_ref[...], c00,
                        precision=hp, preferred_element_type=jnp.float32)
    shx = lax.dot_general(sh_ref[...], q_ref[...], c00,
                          precision=hp, preferred_element_type=jnp.float32)
    lane = lax.broadcasted_iota(jnp.int32, (BE, TP_W), 1)
    tp = a * shx + jnp.where(lane == NS + NV * 3, 1.0, 0.0)
    out_ref[:, pl.ds(0, TP_W)] = tp


def _tp_edges(ea_t, xp, sh_t, W1t, b1, W2t, b2, R, S, Q):
    e = ea_t.shape[1]
    grid = e // BE
    full = lambda i: (0, 0)
    return pl.pallas_call(
        _tp_body,
        grid=(grid,),
        in_specs=[
            pl.BlockSpec((ea_t.shape[0], BE), lambda i: (0, i)),
            pl.BlockSpec((BE, 128), lambda i: (i, 0)),
            pl.BlockSpec((SH, BE), lambda i: (0, i)),
            pl.BlockSpec(W1t.shape, full),
            pl.BlockSpec((b1.shape[0], 1), full),
            pl.BlockSpec(W2t.shape, full),
            pl.BlockSpec((b2.shape[0], 1), full),
            pl.BlockSpec(R.shape, full),
            pl.BlockSpec(S.shape, full),
            pl.BlockSpec(Q.shape, full),
        ],
        out_specs=pl.BlockSpec((BE, 128), lambda i: (i, 0)),
        out_shape=jax.ShapeDtypeStruct((e, 128), jnp.float32),
    )(ea_t, xp, sh_t, W1t, b1, W2t, b2, R, S, Q)



def _combine_body(p_ref, m_ref, o_ref):
    ps = p_ref[0, :, :TP_W] + p_ref[1, :, :TP_W]
    st = lax.dot_general(m_ref[...], ps, (((0,), (1,)), ((), ())),
                         precision=lax.Precision.HIGHEST,
                         preferred_element_type=jnp.float32)
    nc = NS + NV * 3
    cnt = jnp.maximum(st[nc:nc + 1, :], 1.0)
    o_ref[...] = st[:nc, :] / cnt


def _combine(partials, M):
    n = partials.shape[1]
    return pl.pallas_call(
        _combine_body,
        grid=(1,),
        in_specs=[pl.BlockSpec(partials.shape, lambda i: (0, 0, 0)),
                  pl.BlockSpec(M.shape, lambda i: (0, 0))],
        out_specs=pl.BlockSpec((NS + NV * 3, n), lambda i: (0, 0)),
        out_shape=jax.ShapeDtypeStruct((NS + NV * 3, n), jnp.float32),
    )(partials, M)



def kernel(node_attr, edge_attr, edge_sh, W1, b1, W2, b2, edge_index):
    n_nodes = node_attr.shape[0]
    e = edge_attr.shape[0]
    epw = e // NW
    R, S, Q = _sel_matrices()

    M = jnp.asarray(np.eye(TP_W, NS + NV * 3 + 1, dtype=np.float32))

    x = _gather(node_attr, edge_index).reshape(e, 128)
    tp = _tp_edges(edge_attr.T, x, edge_sh.T, W1.T, b1.reshape(-1, 1),
                   W2.T, b2.reshape(-1, 1), R, S, Q)
    partials = _scatter(tp.reshape(NW, epw // VB, VB, 128), edge_index,
                        n_nodes)
    return _combine(partials, M).T

# --- scband reference (transcript-rebuilt; emitter-appended) ---
"""Pipeline reference for scband-diff-dock-38087769981433 (READ-ONLY COPY).

The authoritative reference and input builder live on the scoring server;
editing this copy changes nothing except your own understanding.
"""

import jax, jax.numpy as jnp
import numpy as np

N_NODES = 10000
N_EDGES = 160000
NS = 16          # scalar (0e) multiplicity
NV = 4           # vector (1o) multiplicity
SH_DIM = 9       # spherical harmonics lmax=2 -> 1+3+5
N_EDGE_FEAT = 3 * NS  # 48
W_NUMEL = NS * NS + NS * NV  # 320 = FullyConnectedTensorProduct weight_numel for 16x0e x (0e+1o+2e) -> 16x0e+4x1o


def setup_inputs(seed: int = 0) -> dict:
    key = jax.random.key(seed)
    ks = jax.random.split(key, 8)
    node_attr = jax.random.normal(ks[0], (N_NODES, NS), dtype=jnp.float32)
    edge_attr = jax.random.normal(ks[1], (N_EDGES, N_EDGE_FEAT), dtype=jnp.float32)
    edge_sh = jax.random.normal(ks[2], (N_EDGES, SH_DIM), dtype=jnp.float32)
    W1 = jax.random.normal(ks[3], (N_EDGE_FEAT, N_EDGE_FEAT), dtype=jnp.float32) * 0.1
    b1 = jnp.zeros((N_EDGE_FEAT,), dtype=jnp.float32)
    W2 = jax.random.normal(ks[4], (N_EDGE_FEAT, W_NUMEL), dtype=jnp.float32) * 0.1
    b2 = jnp.zeros((W_NUMEL,), dtype=jnp.float32)
    edge_index = jax.random.randint(ks[5], (2, N_EDGES), 0, N_NODES, dtype=jnp.int32)
    return {"node_attr": node_attr, "edge_attr": edge_attr, "edge_sh": edge_sh,
            "W1": W1, "b1": b1, "W2": W2, "b2": b2, "edge_index": edge_index}


def reference(node_attr, edge_attr, edge_sh, W1, b1, W2, b2, edge_index):
    # TensorProductConvLayer.forward (first lig conv layer of DiffDock):
    #   tp = FullyConnectedTensorProduct(node_attr[edge_dst], edge_sh, weights=MLP(edge_attr))
    #   out = scatter(tp, edge_src, dim_size=N, reduce='mean')   (residual=False, batch_norm=False)
    edge_src = edge_index[0]
    edge_dst = edge_index[1]

    # edge MLP producing per-edge tensor-product weights (dropout=0.0)
    h = jnp.maximum(edge_attr @ W1 + b1, 0.0)
    w = h @ W2 + b2  # [E, 320]

    # FullyConnectedTensorProduct for in_irreps=16x0e, sh_irreps=1x0e+1x1o+1x2e, out_irreps=16x0e+4x1o
    # allowed paths: 0e(x)0e->0e (16*16 weights), 0e(x)1o->1o (16*4 weights); 2e path has no output slot.
    w0 = w[:, : NS * NS].reshape(-1, NS, NS) / jnp.sqrt(float(NS))  # e3nn path normalization
    w1 = w[:, NS * NS :].reshape(-1, NS, NV) / jnp.sqrt(float(NS))

    x = node_attr[edge_dst]          # gather [E, 16]
    sh0 = edge_sh[:, 0:1]            # [E, 1]
    sh1 = edge_sh[:, 1:4]            # [E, 3]

    out0 = jnp.einsum('ei,eim->em', x, w0) * sh0                           # [E, 16] scalars
    out1 = jnp.einsum('ei,eim->em', x, w1)[:, :, None] * sh1[:, None, :]   # [E, 4, 3] vectors
    tp = jnp.concatenate([out0, out1.reshape(-1, NV * 3)], axis=1)         # [E, 28]

    # scatter-mean over source nodes
    out_nodes = node_attr.shape[0]
    summed = jax.ops.segment_sum(tp, edge_src, num_segments=out_nodes)
    counts = jax.ops.segment_sum(jnp.ones((tp.shape[0], 1), dtype=tp.dtype), edge_src, num_segments=out_nodes)
    out = summed / jnp.maximum(counts, 1.0)
    return out

if __name__ == "__main__":
    import jax
    _d = setup_inputs()
    print(jax.jit(kernel)(*tuple(_d.values())))

</pallas_src>

<mosaic_0001>
#map = affine_map<(d0, d1) -> (0, 0, 0, 0)>
#map1 = affine_map<(d0, d1) -> (0, 0)>
#map2 = affine_map<(d0, d1) -> (0, 0, 0)>
module attributes {stable_mosaic.version = 14 : i64} {
  func.func @_scatter_body(%arg0: i32, %arg1: i32, %arg2: memref<32x5x1000x128xf32, #tpu.memory_space<hbm>>, %arg3: memref<2x160000xi32, #tpu.memory_space<hbm>>, %arg4: memref<2x10000x128xf32, #tpu.memory_space<hbm>>, %arg5: memref<125x40xi32, #tpu.memory_space<vmem>>, %arg6: memref<2x1000x32xf32, #tpu.memory_space<vmem>>, %arg7: memref<625x32xf32, #tpu.memory_space<vmem>>, %arg8: memref<10000x32xf32, #tpu.memory_space<vmem_shared>>, %arg9: memref<!tpu.dma_semaphore, #tpu.memory_space<semaphore_mem>>, %arg10: memref<!tpu.dma_semaphore, #tpu.memory_space<semaphore_mem>>, %arg11: memref<!tpu.dma_semaphore, #tpu.memory_space<semaphore_mem>>) attributes {dimension_semantics = [#tpu.dimension_semantics<core_parallel>, #tpu.dimension_semantics<subcore_parallel>], iteration_bounds = array<i64: 2, 16>, scalar_prefetch = 0 : i64, scratch_operands = 7 : i64, tpu.core_type = #tpu.core_type<sc_vector_subcore>, window_params = [{transform_indices = #map}, {transform_indices = #map1}, {transform_indices = #map2}]} {
    %mul3A = arith.constant 2 : i32
    %mul3A_0 = arith.muli %arg1, %mul3A : i32
    %add3A = arith.addi %mul3A_0, %arg0 : i32
    %mul3A_1 = arith.constant 125 : i32
    %mul3A_2 = arith.muli %add3A, %mul3A_1 : i32
    %mul3A_3 = arith.constant 40 : i32
    %mul3A_4 = arith.muli %mul3A_2, %mul3A_3 : i32
    %scan3A = arith.constant 0 : i32
    %scan3A_5 = arith.constant 0 : i32
    %scan3A_6 = arith.constant 125 : i32
    %scan3A_7 = arith.addi %scan3A_5, %scan3A_6 : i32
    %scan3A_8 = arith.constant 1 : i32
    scf.for %scan3A_52 = %scan3A_5 to %scan3A_7 step %scan3A_8  : i32 {
      %mul3A_53 = arith.constant 40 : i32
      %mul3A_54 = arith.muli %scan3A_52, %mul3A_53 : i32
      %add3A_55 = arith.addi %mul3A_4, %mul3A_54 : i32
      %dma_start3A_56 = arith.constant 0 : i32
      %dma_start3A_57 = arith.constant 0 : i32
      %dma_start3A_58 = tpu.memref_slice %arg5[%scan3A_52, %dma_start3A_57] : memref<125x40xi32, #tpu.memory_space<vmem>> -> memref<1x40xi32, #tpu.memory_space<vmem>>
      %dma_start3A_59 = tpu.memref_squeeze %dma_start3A_58 : memref<1x40xi32, #tpu.memory_space<vmem>> -> memref<40xi32, #tpu.memory_space<vmem>>
      %dma_start3A_60 = tpu.memref_slice %arg3[%dma_start3A_56, %add3A_55] : memref<2x160000xi32, #tpu.memory_space<hbm>> -> memref<1x40xi32, #tpu.memory_space<hbm>>
      %dma_start3A_61 = tpu.memref_squeeze %dma_start3A_60 : memref<1x40xi32, #tpu.memory_space<hbm>> -> memref<40xi32, #tpu.memory_space<hbm>>
      %dma_start3A_62 = arith.constant 0 : i32
      %dma_start3A_63 = tpu.memref_slice %arg5[%scan3A_52, %dma_start3A_62] : memref<125x40xi32, #tpu.memory_space<vmem>> -> memref<1x40xi32, #tpu.memory_space<vmem>>
      %dma_start3A_64 = tpu.memref_squeeze %dma_start3A_63 : memref<1x40xi32, #tpu.memory_space<vmem>> -> memref<40xi32, #tpu.memory_space<vmem>>
      %dma_start3A_65 = tpu.memref_slice %arg3[%dma_start3A_56, %add3A_55] : memref<2x160000xi32, #tpu.memory_space<hbm>> -> memref<1x40xi32, #tpu.memory_space<hbm>>
      %dma_start3A_66 = tpu.memref_squeeze %dma_start3A_65 : memref<1x40xi32, #tpu.memory_space<hbm>> -> memref<40xi32, #tpu.memory_space<hbm>>
      tpu.enqueue_dma source(%dma_start3A_66 : memref<40xi32, #tpu.memory_space<hbm>>) target(%dma_start3A_64 : memref<40xi32, #tpu.memory_space<vmem>>) target_semaphore(%arg9 : memref<!tpu.dma_semaphore, #tpu.memory_space<semaphore_mem>>)
    }
    %scan3A_9 = arith.constant 125 : i32
    %scan3A_10 = arith.constant 0 : i32
    %scan3A_11 = arith.constant 0 : i32
    %scan3A_12 = arith.constant 625 : i32
    %scan3A_13 = arith.addi %scan3A_11, %scan3A_12 : i32
    %scan3A_14 = arith.constant 1 : i32
    scf.for %scan3A_52 = %scan3A_11 to %scan3A_13 step %scan3A_14  : i32 {
      %broadcast_in_dim3A = arith.constant 0.000000e+00 : f32
      %broadcast_in_dim3A_53 = vector.broadcast %broadcast_in_dim3A : f32 to vector<16xf32>
      %swap3A = arith.index_cast %scan3A_52 : i32 to index
      %swap3A_54 = arith.constant 0 : index
      %swap3A_55 = tpu.vector_load %arg7[%swap3A, %swap3A_54] {strides = array<i32>} : memref<625x32xf32, #tpu.memory_space<vmem>>, vector<1x16xf32>,
      %swap3A_56 = vector.shape_cast %swap3A_55 : vector<1x16xf32> to vector<16xf32>
      %swap3A_57 = vector.shape_cast %broadcast_in_dim3A_53 : vector<16xf32> to vector<1x16xf32>
      tpu.vector_store %arg7[%swap3A, %swap3A_54], %swap3A_57 {strides = array<i32>} : memref<625x32xf32, #tpu.memory_space<vmem>>, vector<1x16xf32>,
      %broadcast_in_dim3A_58 = arith.constant 0.000000e+00 : f32
      %broadcast_in_dim3A_59 = vector.broadcast %broadcast_in_dim3A_58 : f32 to vector<16xf32>
      %swap3A_60 = arith.index_cast %scan3A_52 : i32 to index
      %swap3A_61 = arith.constant 16 : index
      %swap3A_62 = tpu.vector_load %arg7[%swap3A_60, %swap3A_61] {strides = array<i32>} : memref<625x32xf32, #tpu.memory_space<vmem>>, vector<1x16xf32>,
      %swap3A_63 = vector.shape_cast %swap3A_62 : vector<1x16xf32> to vector<16xf32>
      %swap3A_64 = vector.shape_cast %broadcast_in_dim3A_59 : vector<16xf32> to vector<1x16xf32>
      tpu.vector_store %arg7[%swap3A_60, %swap3A_61], %swap3A_64 {strides = array<i32>} : memref<625x32xf32, #tpu.memory_space<vmem>>, vector<1x16xf32>,
    }
    %scan3A_15 = arith.constant 625 : i32
    %mul3A_16 = arith.constant 625 : i32
    %mul3A_17 = arith.muli %arg1, %mul3A_16 : i32
    "tpu.region"() ({
      %run_scoped3A = tpu.sem_alloc : memref<!tpu.dma_semaphore, #tpu.memory_space<semaphore_mem>>
      %dma_start3A_52 = arith.constant 0 : i32
      %dma_start3A_53 = tpu.memref_slice %arg8[%mul3A_17, %dma_start3A_52] : memref<10000x32xf32, #tpu.memory_space<vmem_shared>> -> memref<625x32xf32, #tpu.memory_space<vmem_shared>>
      %dma_start3A_54 = arith.constant 0 : i32
      %dma_start3A_55 = tpu.memref_slice %arg8[%mul3A_17, %dma_start3A_54] : memref<10000x32xf32, #tpu.memory_space<vmem_shared>> -> memref<625x32xf32, #tpu.memory_space<vmem_shared>>
      tpu.enqueue_dma source(%arg7 : memref<625x32xf32, #tpu.memory_space<vmem>>) target(%dma_start3A_55 : memref<625x32xf32, #tpu.memory_space<vmem_shared>>) target_semaphore(%run_scoped3A : memref<!tpu.dma_semaphore, #tpu.memory_space<semaphore_mem>>)
      %dma_wait3A = arith.constant 0 : i32
      %dma_wait3A_56 = tpu.memref_slice %arg8[%mul3A_17, %dma_wait3A] : memref<10000x32xf32, #tpu.memory_space<vmem_shared>> -> memref<625x32xf32, #tpu.memory_space<vmem_shared>>
      %dma_wait3A_57 = arith.constant 0 : i32
      %dma_wait3A_58 = tpu.memref_slice %arg8[%mul3A_17, %dma_wait3A_57] : memref<10000x32xf32, #tpu.memory_space<vmem_shared>> -> memref<625x32xf32, #tpu.memory_space<vmem_shared>>
      tpu.wait_dma2 semaphore(%run_scoped3A : memref<!tpu.dma_semaphore, #tpu.memory_space<semaphore_mem>>) src(%arg7 : memref<625x32xf32, #tpu.memory_space<vmem>>) dst(%dma_wait3A_58 : memref<625x32xf32, #tpu.memory_space<vmem_shared>>)
      tpu.yield
    }) : () -> ()
    %scan3A_18 = arith.constant 0 : i32
    %scan3A_19 = arith.constant 0 : i32
    %scan3A_20 = arith.constant 125 : i32
    %scan3A_21 = arith.addi %scan3A_19, %scan3A_20 : i32
    %scan3A_22 = arith.constant 1 : i32
    scf.for %scan3A_52 = %scan3A_19 to %scan3A_21 step %scan3A_22  : i32 {
      %mul3A_53 = arith.constant 40 : i32
      %mul3A_54 = arith.muli %scan3A_52, %mul3A_53 : i32
      %add3A_55 = arith.addi %mul3A_4, %mul3A_54 : i32
      %dma_wait3A = arith.constant 0 : i32
      %dma_wait3A_56 = arith.constant 0 : i32
      %dma_wait3A_57 = tpu.memref_slice %arg5[%scan3A_52, %dma_wait3A_56] : memref<125x40xi32, #tpu.memory_space<vmem>> -> memref<1x40xi32, #tpu.memory_space<vmem>>
      %dma_wait3A_58 = tpu.memref_squeeze %dma_wait3A_57 : memref<1x40xi32, #tpu.memory_space<vmem>> -> memref<40xi32, #tpu.memory_space<vmem>>
      %dma_wait3A_59 = tpu.memref_slice %arg3[%dma_wait3A, %add3A_55] : memref<2x160000xi32, #tpu.memory_space<hbm>> -> memref<1x40xi32, #tpu.memory_space<hbm>>
      %dma_wait3A_60 = tpu.memref_squeeze %dma_wait3A_59 : memref<1x40xi32, #tpu.memory_space<hbm>> -> memref<40xi32, #tpu.memory_space<hbm>>
      %dma_wait3A_61 = arith.constant 0 : i32
      %dma_wait3A_62 = tpu.memref_slice %arg5[%scan3A_52, %dma_wait3A_61] : memref<125x40xi32, #tpu.memory_space<vmem>> -> memref<1x40xi32, #tpu.memory_space<vmem>>
      %dma_wait3A_63 = tpu.memref_squeeze %dma_wait3A_62 : memref<1x40xi32, #tpu.memory_space<vmem>> -> memref<40xi32, #tpu.memory_space<vmem>>
      %dma_wait3A_64 = tpu.memref_slice %arg3[%dma_wait3A, %add3A_55] : memref<2x160000xi32, #tpu.memory_space<hbm>> -> memref<1x40xi32, #tpu.memory_space<hbm>>
      %dma_wait3A_65 = tpu.memref_squeeze %dma_wait3A_64 : memref<1x40xi32, #tpu.memory_space<hbm>> -> memref<40xi32, #tpu.memory_space<hbm>>
      tpu.wait_dma2 semaphore(%arg9 : memref<!tpu.dma_semaphore, #tpu.memory_space<semaphore_mem>>) src(%dma_wait3A_65 : memref<40xi32, #tpu.memory_space<hbm>>) dst(%dma_wait3A_63 : memref<40xi32, #tpu.memory_space<vmem>>)
    }
    %scan3A_23 = arith.constant 125 : i32
    %barrier3A = arith.constant 0 : index
    tpu.barrier barrier_id(%barrier3A)
    %dma_start3A = arith.constant 0 : i32
    %dma_start3A_24 = arith.constant 0 : i32
    %dma_start3A_25 = arith.constant 0 : i32
    %dma_start3A_26 = arith.constant 0 : i32
    %dma_start3A_27 = tpu.memref_slice %arg6[%dma_start3A_24, %dma_start3A_25, %dma_start3A_26] : memref<2x1000x32xf32, #tpu.memory_space<vmem>> -> memref<1x1000x32xf32, #tpu.memory_space<vmem>>
    %dma_start3A_28 = tpu.memref_squeeze %dma_start3A_27 : memref<1x1000x32xf32, #tpu.memory_space<vmem>> -> memref<1000x32xf32, #tpu.memory_space<vmem>>
    %dma_start3A_29 = arith.constant 0 : i32
    %dma_start3A_30 = arith.constant 0 : i32
    %dma_start3A_31 = tpu.memref_slice %arg2[%add3A, %dma_start3A, %dma_start3A_29, %dma_start3A_30] : memref<32x5x1000x128xf32, #tpu.memory_space<hbm>> -> memref<1x1x1000x32xf32, #tpu.memory_space<hbm>>
    %dma_start3A_32 = tpu.memref_squeeze %dma_start3A_31 : memref<1x1x1000x32xf32, #tpu.memory_space<hbm>> -> memref<1000x32xf32, #tpu.memory_space<hbm>>
    %dma_start3A_33 = arith.constant 0 : i32
    %dma_start3A_34 = arith.constant 0 : i32
    %dma_start3A_35 = tpu.memref_slice %arg6[%dma_start3A_24, %dma_start3A_33, %dma_start3A_34] : memref<2x1000x32xf32, #tpu.memory_space<vmem>> -> memref<1x1000x32xf32, #tpu.memory_space<vmem>>
    %dma_start3A_36 = tpu.memref_squeeze %dma_start3A_35 : memref<1x1000x32xf32, #tpu.memory_space<vmem>> -> memref<1000x32xf32, #tpu.memory_space<vmem>>
    %dma_start3A_37 = arith.constant 0 : i32
    %dma_start3A_38 = arith.constant 0 : i32
    %dma_start3A_39 = tpu.memref_slice %arg2[%add3A, %dma_start3A, %dma_start3A_37, %dma_start3A_38] : memref<32x5x1000x128xf32, #tpu.memory_space<hbm>> -> memref<1x1x1000x32xf32, #tpu.memory_space<hbm>>
    %dma_start3A_40 = tpu.memref_squeeze %dma_start3A_39 : memref<1x1x1000x32xf32, #tpu.memory_space<hbm>> -> memref<1000x32xf32, #tpu.memory_space<hbm>>
    tpu.enqueue_dma source(%dma_start3A_40 : memref<1000x32xf32, #tpu.memory_space<hbm>>) target(%dma_start3A_36 : memref<1000x32xf32, #tpu.memory_space<vmem>>) target_semaphore(%arg10 : memref<!tpu.dma_semaphore, #tpu.memory_space<semaphore_mem>>)
    %scan3A_41 = arith.constant 0 : i32
    %scan3A_42 = arith.constant 0 : i32
    %scan3A_43 = arith.constant 5 : i32
    %scan3A_44 = arith.addi %scan3A_42, %scan3A_43 : i32
    %scan3A_45 = arith.constant 1 : i32
    scf.for %scan3A_52 = %scan3A_42 to %scan3A_44 step %scan3A_45  : i32 {
      %rem3A = arith.constant 2 : i32
      %rem3A_53 = arith.remsi %scan3A_52, %rem3A : i32
      %dma_wait3A = arith.constant 0 : i32
      %dma_wait3A_54 = arith.constant 0 : i32
      %dma_wait3A_55 = arith.constant 0 : i32
      %dma_wait3A_56 = arith.constant 0 : i32
      %dma_wait3A_57 = tpu.memref_slice %arg6[%dma_wait3A_54, %dma_wait3A_55, %dma_wait3A_56] : memref<2x1000x32xf32, #tpu.memory_space<vmem>> -> memref<1x1000x32xf32, #tpu.memory_space<vmem>>
      %dma_wait3A_58 = tpu.memref_squeeze %dma_wait3A_57 : memref<1x1000x32xf32, #tpu.memory_space<vmem>> -> memref<1000x32xf32, #tpu.memory_space<vmem>>
      %dma_wait3A_59 = arith.constant 0 : i32
      %dma_wait3A_60 = arith.constant 0 : i32
      %dma_wait3A_61 = tpu.memref_slice %arg2[%add3A, %dma_wait3A, %dma_wait3A_59, %dma_wait3A_60] : memref<32x5x1000x128xf32, #tpu.memory_space<hbm>> -> memref<1x1x1000x32xf32, #tpu.memory_space<hbm>>
      %dma_wait3A_62 = tpu.memref_squeeze %dma_wait3A_61 : memref<1x1x1000x32xf32, #tpu.memory_space<hbm>> -> memref<1000x32xf32, #tpu.memory_space<hbm>>
      %dma_wait3A_63 = arith.constant 0 : i32
      %dma_wait3A_64 = arith.constant 0 : i32
      %dma_wait3A_65 = tpu.memref_slice %arg6[%dma_wait3A_54, %dma_wait3A_63, %dma_wait3A_64] : memref<2x1000x32xf32, #tpu.memory_space<vmem>> -> memref<1x1000x32xf32, #tpu.memory_space<vmem>>
      %dma_wait3A_66 = tpu.memref_squeeze %dma_wait3A_65 : memref<1x1000x32xf32, #tpu.memory_space<vmem>> -> memref<1000x32xf32, #tpu.memory_space<vmem>>
      %dma_wait3A_67 = arith.constant 0 : i32
      %dma_wait3A_68 = arith.constant 0 : i32
      %dma_wait3A_69 = tpu.memref_slice %arg2[%add3A, %dma_wait3A, %dma_wait3A_67, %dma_wait3A_68] : memref<32x5x1000x128xf32, #tpu.memory_space<hbm>> -> memref<1x1x1000x32xf32, #tpu.memory_space<hbm>>
      %dma_wait3A_70 = tpu.memref_squeeze %dma_wait3A_69 : memref<1x1x1000x32xf32, #tpu.memory_space<hbm>> -> memref<1000x32xf32, #tpu.memory_space<hbm>>
      tpu.wait_dma2 semaphore(%arg10 : memref<!tpu.dma_semaphore, #tpu.memory_space<semaphore_mem>>) src(%dma_wait3A_70 : memref<1000x32xf32, #tpu.memory_space<hbm>>) dst(%dma_wait3A_66 : memref<1000x32xf32, #tpu.memory_space<vmem>>)
      %add3A_71 = arith.constant 1 : i32
      %add3A_72 = arith.addi %scan3A_52, %add3A_71 : i32
      %lt3A = arith.constant 5 : i32
      %lt3A_73 = arith.cmpi slt, %add3A_72, %lt3A : i32
      %convert_element_type3A = arith.extui %lt3A_73 : i1 to i32
      %cond3A = arith.constant 0 : i32
      %cond3A_74 = arith.cmpi ne, %convert_element_type3A, %cond3A : i32
      scf.if %cond3A_74 {
        %add3A_87 = arith.constant 1 : i32
        %add3A_88 = arith.addi %scan3A_52, %add3A_87 : i32
        %add3A_89 = arith.constant 1 : i32
        %add3A_90 = arith.addi %scan3A_52, %add3A_89 : i32
        %rem3A_91 = arith.constant 2 : i32
        %rem3A_92 = arith.remsi %add3A_90, %rem3A_91 : i32
        %dma_start3A_93 = arith.constant 0 : i32
        %dma_start3A_94 = arith.constant 0 : i32
        %dma_start3A_95 = tpu.memref_slice %arg6[%rem3A_92, %dma_start3A_93, %dma_start3A_94] : memref<2x1000x32xf32, #tpu.memory_space<vmem>> -> memref<1x1000x32xf32, #tpu.memory_space<vmem>>
        %dma_start3A_96 = tpu.memref_squeeze %dma_start3A_95 : memref<1x1000x32xf32, #tpu.memory_space<vmem>> -> memref<1000x32xf32, #tpu.memory_space<vmem>>
        %dma_start3A_97 = arith.constant 0 : i32
        %dma_start3A_98 = arith.constant 0 : i32
        %dma_start3A_99 = tpu.memref_slice %arg2[%add3A, %add3A_88, %dma_start3A_97, %dma_start3A_98] : memref<32x5x1000x128xf32, #tpu.memory_space<hbm>> -> memref<1x1x1000x32xf32, #tpu.memory_space<hbm>>
        %dma_start3A_100 = tpu.memref_squeeze %dma_start3A_99 : memref<1x1x1000x32xf32, #tpu.memory_space<hbm>> -> memref<1000x32xf32, #tpu.memory_space<hbm>>
        %dma_start3A_101 = arith.constant 0 : i32
        %dma_start3A_102 = arith.constant 0 : i32
        %dma_start3A_103 = tpu.memref_slice %arg6[%rem3A_92, %dma_start3A_101, %dma_start3A_102] : memref<2x1000x32xf32, #tpu.memory_space<vmem>> -> memref<1x1000x32xf32, #tpu.memory_space<vmem>>
        %dma_start3A_104 = tpu.memref_squeeze %dma_start3A_103 : memref<1x1000x32xf32, #tpu.memory_space<vmem>> -> memref<1000x32xf32, #tpu.memory_space<vmem>>
        %dma_start3A_105 = arith.constant 0 : i32
        %dma_start3A_106 = arith.constant 0 : i32
        %dma_start3A_107 = tpu.memref_slice %arg2[%add3A, %add3A_88, %dma_start3A_105, %dma_start3A_106] : memref<32x5x1000x128xf32, #tpu.memory_space<hbm>> -> memref<1x1x1000x32xf32, #tpu.memory_space<hbm>>
        %dma_start3A_108 = tpu.memref_squeeze %dma_start3A_107 : memref<1x1x1000x32xf32, #tpu.memory_space<hbm>> -> memref<1000x32xf32, #tpu.memory_space<hbm>>
        tpu.enqueue_dma source(%dma_start3A_108 : memref<1000x32xf32, #tpu.memory_space<hbm>>) target(%dma_start3A_104 : memref<1000x32xf32, #tpu.memory_space<vmem>>) target_semaphore(%arg10 : memref<!tpu.dma_semaphore, #tpu.memory_space<semaphore_mem>>)
      } else {
      }
      %scan3A_75 = arith.constant 0 : i32
      %scan3A_76 = arith.constant 0 : i32
      %scan3A_77 = arith.constant 25 : i32
      %scan3A_78 = arith.addi %scan3A_76, %scan3A_77 : i32
      %scan3A_79 = arith.constant 1 : i32
      scf.for %scan3A_87 = %scan3A_76 to %scan3A_78 step %scan3A_79  : i32 {
        %mul3A_88 = arith.constant 40 : i32
        %mul3A_89 = arith.muli %scan3A_87, %mul3A_88 : i32
        %mul3A_90 = arith.constant 25 : i32
        %mul3A_91 = arith.muli %scan3A_52, %mul3A_90 : i32
        %add3A_92 = arith.addi %mul3A_91, %scan3A_87 : i32
        %dma_start3A_93 = arith.constant 0 : i32
        %dma_start3A_94 = tpu.memref_slice %arg6[%rem3A_53, %mul3A_89, %dma_start3A_93] : memref<2x1000x32xf32, #tpu.memory_space<vmem>> -> memref<1x40x32xf32, #tpu.memory_space<vmem>>
        %dma_start3A_95 = tpu.memref_squeeze %dma_start3A_94 : memref<1x40x32xf32, #tpu.memory_space<vmem>> -> memref<40x32xf32, #tpu.memory_space<vmem>>
        %dma_start3A_96 = arith.constant 0 : i32
        %dma_start3A_97 = tpu.memref_slice %arg5[%add3A_92, %dma_start3A_96] : memref<125x40xi32, #tpu.memory_space<vmem>> -> memref<1x40xi32, #tpu.memory_space<vmem>>
        %dma_start3A_98 = tpu.memref_squeeze %dma_start3A_97 : memref<1x40xi32, #tpu.memory_space<vmem>> -> memref<40xi32, #tpu.memory_space<vmem>>
        %dma_start3A_99 = arith.constant 0 : i32
        %dma_start3A_100 = arith.constant 0 : i32
        %dma_start3A_101 = tpu.memref_slice %arg8[%dma_start3A_99, %dma_start3A_100] : memref<10000x32xf32, #tpu.memory_space<vmem_shared>> -> memref<10000x32xf32, #tpu.memory_space<vmem_shared>>
        tpu.enqueue_indirect_dma source(%dma_start3A_95 : memref<40x32xf32, #tpu.memory_space<vmem>>) target(%dma_start3A_101 : memref<10000x32xf32, #tpu.memory_space<vmem_shared>>) offsets(%dma_start3A_98 : memref<40xi32, #tpu.memory_space<vmem>>) semaphore(%arg11 : memref<!tpu.dma_semaphore, #tpu.memory_space<semaphore_mem>>) {add = true}
      }
      %scan3A_80 = arith.constant 25 : i32
      %scan3A_81 = arith.constant 0 : i32
      %scan3A_82 = arith.constant 0 : i32
      %scan3A_83 = arith.constant 25 : i32
      %scan3A_84 = arith.addi %scan3A_82, %scan3A_83 : i32
      %scan3A_85 = arith.constant 1 : i32
      scf.for %scan3A_87 = %scan3A_82 to %scan3A_84 step %scan3A_85  : i32 {
        %mul3A_88 = arith.constant 40 : i32
        %mul3A_89 = arith.muli %scan3A_87, %mul3A_88 : i32
        %mul3A_90 = arith.constant 25 : i32
        %mul3A_91 = arith.muli %scan3A_52, %mul3A_90 : i32
        %add3A_92 = arith.addi %mul3A_91, %scan3A_87 : i32
        %dma_wait3A_93 = arith.constant 0 : i32
        %dma_wait3A_94 = tpu.memref_slice %arg6[%rem3A_53, %mul3A_89, %dma_wait3A_93] : memref<2x1000x32xf32, #tpu.memory_space<vmem>> -> memref<1x40x32xf32, #tpu.memory_space<vmem>>
        %dma_wait3A_95 = tpu.memref_squeeze %dma_wait3A_94 : memref<1x40x32xf32, #tpu.memory_space<vmem>> -> memref<40x32xf32, #tpu.memory_space<vmem>>
        %dma_wait3A_96 = arith.constant 0 : i32
        %dma_wait3A_97 = tpu.memref_slice %arg5[%add3A_92, %dma_wait3A_96] : memref<125x40xi32, #tpu.memory_space<vmem>> -> memref<1x40xi32, #tpu.memory_space<vmem>>
        %dma_wait3A_98 = tpu.memref_squeeze %dma_wait3A_97 : memref<1x40xi32, #tpu.memory_space<vmem>> -> memref<40xi32, #tpu.memory_space<vmem>>
        %dma_wait3A_99 = arith.constant 0 : i32
        %dma_wait3A_100 = arith.constant 0 : i32
        %dma_wait3A_101 = tpu.memref_slice %arg8[%dma_wait3A_99, %dma_wait3A_100] : memref<10000x32xf32, #tpu.memory_space<vmem_shared>> -> memref<10000x32xf32, #tpu.memory_space<vmem_shared>>
        tpu.wait_indirect_dma semaphore(%arg11 : memref<!tpu.dma_semaphore, #tpu.memory_space<semaphore_mem>>) src(%dma_wait3A_95 : memref<40x32xf32, #tpu.memory_space<vmem>>) dst(%dma_wait3A_101 : memref<10000x32xf32, #tpu.memory_space<vmem_shared>>)
      }
      %scan3A_86 = arith.constant 25 : i32
    }
    %scan3A_46 = arith.constant 5 : i32
    %barrier3A_47 = arith.constant 0 : index
    tpu.barrier barrier_id(%barrier3A_47)
    %mul3A_48 = arith.constant 625 : i32
    %mul3A_49 = arith.muli %arg1, %mul3A_48 : i32
    %mul3A_50 = arith.constant 625 : i32
    %mul3A_51 = arith.muli %arg1, %mul3A_50 : i32
    "tpu.region"() ({
      %run_scoped3A = tpu.sem_alloc : memref<!tpu.dma_semaphore, #tpu.memory_space<semaphore_mem>>
      %dma_start3A_52 = arith.constant 0 : i32
      %dma_start3A_53 = tpu.memref_slice %arg4[%arg0, %mul3A_51, %dma_start3A_52] : memref<2x10000x128xf32, #tpu.memory_space<hbm>> -> memref<1x625x32xf32, #tpu.memory_space<hbm>>
      %dma_start3A_54 = tpu.memref_squeeze %dma_start3A_53 : memref<1x625x32xf32, #tpu.memory_space<hbm>> -> memref<625x32xf32, #tpu.memory_space<hbm>>
      %dma_start3A_55 = arith.constant 0 : i32
      %dma_start3A_56 = tpu.memref_slice %arg8[%mul3A_49, %dma_start3A_55] : memref<10000x32xf32, #tpu.memory_space<vmem_shared>> -> memref<625x32xf32, #tpu.memory_space<vmem_shared>>
      tpu.enqueue_dma source(%dma_start3A_56 : memref<625x32xf32, #tpu.memory_space<vmem_shared>>) target(%dma_start3A_54 : memref<625x32xf32, #tpu.memory_space<hbm>>) target_semaphore(%run_scoped3A : memref<!tpu.dma_semaphore, #tpu.memory_space<semaphore_mem>>)
      %dma_wait3A = arith.constant 0 : i32
      %dma_wait3A_57 = tpu.memref_slice %arg4[%arg0, %mul3A_51, %dma_wait3A] : memref<2x10000x128xf32, #tpu.memory_space<hbm>> -> memref<1x625x32xf32, #tpu.memory_space<hbm>>
      %dma_wait3A_58 = tpu.memref_squeeze %dma_wait3A_57 : memref<1x625x32xf32, #tpu.memory_space<hbm>> -> memref<625x32xf32, #tpu.memory_space<hbm>>
      %dma_wait3A_59 = arith.constant 0 : i32
      %dma_wait3A_60 = tpu.memref_slice %arg8[%mul3A_49, %dma_wait3A_59] : memref<10000x32xf32, #tpu.memory_space<vmem_shared>> -> memref<625x32xf32, #tpu.memory_space<vmem_shared>>
      tpu.wait_dma2 semaphore(%run_scoped3A : memref<!tpu.dma_semaphore, #tpu.memory_space<semaphore_mem>>) src(%dma_wait3A_60 : memref<625x32xf32, #tpu.memory_space<vmem_shared>>) dst(%dma_wait3A_58 : memref<625x32xf32, #tpu.memory_space<hbm>>)
      tpu.yield
    }) : () -> ()
    return
  }
}

#map = affine_map<(d0, d1) -> (0, 0)>
#map1 = affine_map<(d0, d1) -> (0, 0, 0)>
module attributes {stable_mosaic.version = 14 : i64} {
  func.func @_gather_body(%arg0: i32, %arg1: i32, %arg2: memref<10000x16xf32, #tpu.memory_space<hbm>>, %arg3: memref<2x160000xi32, #tpu.memory_space<hbm>>, %arg4: memref<32x5000x128xf32, #tpu.memory_space<hbm>>, %arg5: memref<5000xi32, #tpu.memory_space<vmem>>, %arg6: memref<5000x16xf32, #tpu.memory_space<vmem>>, %arg7: memref<!tpu.dma_semaphore, #tpu.memory_space<semaphore_mem>>) attributes {dimension_semantics = [#tpu.dimension_semantics<core_parallel>, #tpu.dimension_semantics<subcore_parallel>], iteration_bounds = array<i64: 2, 16>, scalar_prefetch = 0 : i64, scratch_operands = 3 : i64, tpu.core_type = #tpu.core_type<sc_vector_subcore>, window_params = [{transform_indices = #map}, {transform_indices = #map}, {transform_indices = #map1}]} {
    %mul3A = arith.constant 2 : i32
    %mul3A_0 = arith.muli %arg1, %mul3A : i32
    %add3A = arith.addi %mul3A_0, %arg0 : i32
    %mul3A_1 = arith.constant 5000 : i32
    %mul3A_2 = arith.muli %add3A, %mul3A_1 : i32
    %run_scoped3A = arith.constant 1 : i32
    "tpu.region"() ({
      %run_scoped3A_14 = tpu.sem_alloc : memref<!tpu.dma_semaphore, #tpu.memory_space<semaphore_mem>>
      %dma_start3A = tpu.memref_slice %arg3[%run_scoped3A, %mul3A_2] : memref<2x160000xi32, #tpu.memory_space<hbm>> -> memref<1x5000xi32, #tpu.memory_space<hbm>>
      %dma_start3A_15 = tpu.memref_squeeze %dma_start3A : memref<1x5000xi32, #tpu.memory_space<hbm>> -> memref<5000xi32, #tpu.memory_space<hbm>>
      %dma_start3A_16 = tpu.memref_slice %arg3[%run_scoped3A, %mul3A_2] : memref<2x160000xi32, #tpu.memory_space<hbm>> -> memref<1x5000xi32, #tpu.memory_space<hbm>>
      %dma_start3A_17 = tpu.memref_squeeze %dma_start3A_16 : memref<1x5000xi32, #tpu.memory_space<hbm>> -> memref<5000xi32, #tpu.memory_space<hbm>>
      tpu.enqueue_dma source(%dma_start3A_17 : memref<5000xi32, #tpu.memory_space<hbm>>) target(%arg5 : memref<5000xi32, #tpu.memory_space<vmem>>) target_semaphore(%run_scoped3A_14 : memref<!tpu.dma_semaphore, #tpu.memory_space<semaphore_mem>>)
      %dma_wait3A = tpu.memref_slice %arg3[%run_scoped3A, %mul3A_2] : memref<2x160000xi32, #tpu.memory_space<hbm>> -> memref<1x5000xi32, #tpu.memory_space<hbm>>
      %dma_wait3A_18 = tpu.memref_squeeze %dma_wait3A : memref<1x5000xi32, #tpu.memory_space<hbm>> -> memref<5000xi32, #tpu.memory_space<hbm>>
      %dma_wait3A_19 = tpu.memref_slice %arg3[%run_scoped3A, %mul3A_2] : memref<2x160000xi32, #tpu.memory_space<hbm>> -> memref<1x5000xi32, #tpu.memory_space<hbm>>
      %dma_wait3A_20 = tpu.memref_squeeze %dma_wait3A_19 : memref<1x5000xi32, #tpu.memory_space<hbm>> -> memref<5000xi32, #tpu.memory_space<hbm>>
      tpu.wait_dma2 semaphore(%run_scoped3A_14 : memref<!tpu.dma_semaphore, #tpu.memory_space<semaphore_mem>>) src(%dma_wait3A_20 : memref<5000xi32, #tpu.memory_space<hbm>>) dst(%arg5 : memref<5000xi32, #tpu.memory_space<vmem>>)
      tpu.yield
    }) : () -> ()
    %scan3A = arith.constant 0 : i32
    %scan3A_3 = arith.constant 0 : i32
    %scan3A_4 = arith.constant 125 : i32
    %scan3A_5 = arith.addi %scan3A_3, %scan3A_4 : i32
    %scan3A_6 = arith.constant 1 : i32
    scf.for %scan3A_14 = %scan3A_3 to %scan3A_5 step %scan3A_6  : i32 {
      %mul3A_15 = arith.constant 40 : i32
      %mul3A_16 = arith.muli %scan3A_14, %mul3A_15 : i32
      %mul3A_17 = arith.constant 40 : i32
      %mul3A_18 = arith.muli %scan3A_14, %mul3A_17 : i32
      %dma_start3A = arith.constant 0 : i32
      %dma_start3A_19 = tpu.memref_slice %arg6[%mul3A_18, %dma_start3A] : memref<5000x16xf32, #tpu.memory_space<vmem>> -> memref<40x16xf32, #tpu.memory_space<vmem>>
      %dma_start3A_20 = tpu.memref_slice %arg5[%mul3A_16] : memref<5000xi32, #tpu.memory_space<vmem>> -> memref<40xi32, #tpu.memory_space<vmem>>
      %dma_start3A_21 = arith.constant 0 : i32
      %dma_start3A_22 = arith.constant 0 : i32
      %dma_start3A_23 = tpu.memref_slice %arg2[%dma_start3A_21, %dma_start3A_22] : memref<10000x16xf32, #tpu.memory_space<hbm>> -> memref<10000x16xf32, #tpu.memory_space<hbm>>
      tpu.enqueue_indirect_dma source(%dma_start3A_23 : memref<10000x16xf32, #tpu.memory_space<hbm>>) target(%dma_start3A_19 : memref<40x16xf32, #tpu.memory_space<vmem>>) offsets(%dma_start3A_20 : memref<40xi32, #tpu.memory_space<vmem>>) semaphore(%arg7 : memref<!tpu.dma_semaphore, #tpu.memory_space<semaphore_mem>>)
    }
    %scan3A_7 = arith.constant 125 : i32
    %scan3A_8 = arith.constant 0 : i32
    %scan3A_9 = arith.constant 0 : i32
    %scan3A_10 = arith.constant 125 : i32
    %scan3A_11 = arith.addi %scan3A_9, %scan3A_10 : i32
    %scan3A_12 = arith.constant 1 : i32
    scf.for %scan3A_14 = %scan3A_9 to %scan3A_11 step %scan3A_12  : i32 {
      %mul3A_15 = arith.constant 40 : i32
      %mul3A_16 = arith.muli %scan3A_14, %mul3A_15 : i32
      %mul3A_17 = arith.constant 40 : i32
      %mul3A_18 = arith.muli %scan3A_14, %mul3A_17 : i32
      %dma_wait3A = arith.constant 0 : i32
      %dma_wait3A_19 = tpu.memref_slice %arg6[%mul3A_18, %dma_wait3A] : memref<5000x16xf32, #tpu.memory_space<vmem>> -> memref<40x16xf32, #tpu.memory_space<vmem>>
      %dma_wait3A_20 = tpu.memref_slice %arg5[%mul3A_16] : memref<5000xi32, #tpu.memory_space<vmem>> -> memref<40xi32, #tpu.memory_space<vmem>>
      %dma_wait3A_21 = arith.constant 0 : i32
      %dma_wait3A_22 = arith.constant 0 : i32
      %dma_wait3A_23 = tpu.memref_slice %arg2[%dma_wait3A_21, %dma_wait3A_22] : memref<10000x16xf32, #tpu.memory_space<hbm>> -> memref<10000x16xf32, #tpu.memory_space<hbm>>
      tpu.wait_indirect_dma semaphore(%arg7 : memref<!tpu.dma_semaphore, #tpu.memory_space<semaphore_mem>>) src(%dma_wait3A_23 : memref<10000x16xf32, #tpu.memory_space<hbm>>) dst(%dma_wait3A_19 : memref<40x16xf32, #tpu.memory_space<vmem>>)
    }
    %scan3A_13 = arith.constant 125 : i32
    "tpu.region"() ({
      %run_scoped3A_14 = tpu.sem_alloc : memref<!tpu.dma_semaphore, #tpu.memory_space<semaphore_mem>>
      %dma_start3A = arith.constant 0 : i32
      %dma_start3A_15 = arith.constant 0 : i32
      %dma_start3A_16 = tpu.memref_slice %arg4[%add3A, %dma_start3A, %dma_start3A_15] : memref<32x5000x128xf32, #tpu.memory_space<hbm>> -> memref<1x5000x16xf32, #tpu.memory_space<hbm>>
      %dma_start3A_17 = tpu.memref_squeeze %dma_start3A_16 : memref<1x5000x16xf32, #tpu.memory_space<hbm>> -> memref<5000x16xf32, #tpu.memory_space<hbm>>
      %dma_start3A_18 = arith.constant 0 : i32
      %dma_start3A_19 = arith.constant 0 : i32
      %dma_start3A_20 = tpu.memref_slice %arg4[%add3A, %dma_start3A_18, %dma_start3A_19] : memref<32x5000x128xf32, #tpu.memory_space<hbm>> -> memref<1x5000x16xf32, #tpu.memory_space<hbm>>
      %dma_start3A_21 = tpu.memref_squeeze %dma_start3A_20 : memref<1x5000x16xf32, #tpu.memory_space<hbm>> -> memref<5000x16xf32, #tpu.memory_space<hbm>>
      tpu.enqueue_dma source(%arg6 : memref<5000x16xf32, #tpu.memory_space<vmem>>) target(%dma_start3A_21 : memref<5000x16xf32, #tpu.memory_space<hbm>>) target_semaphore(%run_scoped3A_14 : memref<!tpu.dma_semaphore, #tpu.memory_space<semaphore_mem>>)
      %dma_wait3A = arith.constant 0 : i32
      %dma_wait3A_22 = arith.constant 0 : i32
      %dma_wait3A_23 = tpu.memref_slice %arg4[%add3A, %dma_wait3A, %dma_wait3A_22] : memref<32x5000x128xf32, #tpu.memory_space<hbm>> -> memref<1x5000x16xf32, #tpu.memory_space<hbm>>
      %dma_wait3A_24 = tpu.memref_squeeze %dma_wait3A_23 : memref<1x5000x16xf32, #tpu.memory_space<hbm>> -> memref<5000x16xf32, #tpu.memory_space<hbm>>
      %dma_wait3A_25 = arith.constant 0 : i32
      %dma_wait3A_26 = arith.constant 0 : i32
      %dma_wait3A_27 = tpu.memref_slice %arg4[%add3A, %dma_wait3A_25, %dma_wait3A_26] : memref<32x5000x128xf32, #tpu.memory_space<hbm>> -> memref<1x5000x16xf32, #tpu.memory_space<hbm>>
      %dma_wait3A_28 = tpu.memref_squeeze %dma_wait3A_27 : memref<1x5000x16xf32, #tpu.memory_space<hbm>> -> memref<5000x16xf32, #tpu.memory_space<hbm>>
      tpu.wait_dma2 semaphore(%run_scoped3A_14 : memref<!tpu.dma_semaphore, #tpu.memory_space<semaphore_mem>>) src(%arg6 : memref<5000x16xf32, #tpu.memory_space<vmem>>) dst(%dma_wait3A_28 : memref<5000x16xf32, #tpu.memory_space<hbm>>)
      tpu.yield
    }) : () -> ()
    return
  }
}

module attributes {stable_mosaic.version = 14 : i64} {
  func.func @_combine_body(%arg0: i32, %arg1: memref<2x10000x128xf32, #tpu.memory_space<vmem>>, %arg2: memref<32x29xf32, #tpu.memory_space<vmem>>, %arg3: memref<28x10000xf32, #tpu.memory_space<vmem>>) attributes {dimension_semantics = [#tpu.dimension_semantics<arbitrary>], iteration_bounds = array<i64: 1>, scalar_prefetch = 0 : i64, scratch_operands = 0 : i64, tpu.core_type = #tpu.core_type<tc>, window_params = [{pipeline_mode = #tpu.pipeline_mode<synchronous>, transform_indices = @transform_0, window_bounds = array<i64: 2, 10000, 128>}, {pipeline_mode = #tpu.pipeline_mode<synchronous>, transform_indices = @transform_1, window_bounds = array<i64: 32, 29>}, {pipeline_mode = #tpu.pipeline_mode<synchronous>, transform_indices = @transform_2, window_bounds = array<i64: 28, 10000>}]} {
    %get3A = arith.constant 0 : index
    %get3A_0 = arith.constant 0 : index
    %get3A_1 = arith.constant 0 : index
    %get3A_2 = vector.load %arg1[%get3A, %get3A_0, %get3A_1] : memref<2x10000x128xf32, #tpu.memory_space<vmem>>, vector<1x10000x32xf32>
    %get3A_3 = vector.shape_cast %get3A_2 : vector<1x10000x32xf32> to vector<10000x32xf32>
    %get3A_4 = arith.constant 1 : index
    %get3A_5 = arith.constant 0 : index
    %get3A_6 = arith.constant 0 : index
    %get3A_7 = vector.load %arg1[%get3A_4, %get3A_5, %get3A_6] : memref<2x10000x128xf32, #tpu.memory_space<vmem>>, vector<1x10000x32xf32>
    %get3A_8 = vector.shape_cast %get3A_7 : vector<1x10000x32xf32> to vector<10000x32xf32>
    %add3A = arith.addf %get3A_3, %get3A_8 : vector<10000x32xf32>
    %get3A_9 = arith.constant 0 : index
    %get3A_10 = arith.constant 0 : index
    %get3A_11 = vector.load %arg2[%get3A_9, %get3A_10] : memref<32x29xf32, #tpu.memory_space<vmem>>, vector<32x29xf32>
    %dot_general3A = arith.constant dense<0.000000e+00> : vector<29x10000xf32>
    %dot_general3A_12 = tpu.matmul %get3A_11, %add3A, %dot_general3A {dimension_numbers = #tpu.dot_dimension_numbers<[0], [1], [1], [0], [0, 1, 1, 0], [], []>, precision = #tpu.contract_precision<fp32>, transpose_lhs_hint = false} : vector<32x29xf32>, vector<10000x32xf32>, vector<29x10000xf32> -> vector<29x10000xf32>
    %slice3A = vector.extract_strided_slice %dot_general3A_12 {offsets = [28, 0], sizes = [1, 10000], strides = [1, 1]} : vector<29x10000xf32> to vector<1x10000xf32>
    %max3A = arith.constant 1.000000e+00 : f32
    %max3A_13 = vector.broadcast %max3A : f32 to vector<1x10000xf32>
    %max3A_14 = arith.maximumf %slice3A, %max3A_13 : vector<1x10000xf32>
    %slice3A_15 = vector.extract_strided_slice %dot_general3A_12 {offsets = [0, 0], sizes = [28, 10000], strides = [1, 1]} : vector<29x10000xf32> to vector<28x10000xf32>
    %div3A = vector.broadcast %max3A_14 : vector<1x10000xf32> to vector<28x10000xf32>
    %div3A_16 = arith.divf %slice3A_15, %div3A : vector<28x10000xf32>
    %swap3A = arith.constant 0 : index
    %swap3A_17 = arith.constant 0 : index
    %swap3A_18 = vector.load %arg3[%swap3A, %swap3A_17] : memref<28x10000xf32, #tpu.memory_space<vmem>>, vector<28x10000xf32>
    tpu.vector_store %arg3[%swap3A, %swap3A_17], %div3A_16 {strides = array<i32>} : memref<28x10000xf32, #tpu.memory_space<vmem>>, vector<28x10000xf32>,
    return
  }
  func.func @transform_0(%arg0: i32) -> (i32, i32, i32) {
    %c0_i32 = arith.constant 0 : i32
    %c0_i32_0 = arith.constant 0 : i32
    %c0_i32_1 = arith.constant 0 : i32
    %c0_i32_2 = arith.constant 0 : i32
    return %c0_i32, %c0_i32_0, %c0_i32_1 : i32, i32, i32
  }
  func.func @transform_1(%arg0: i32) -> (i32, i32) {
    %c0_i32 = arith.constant 0 : i32
    %c0_i32_0 = arith.constant 0 : i32
    %c0_i32_1 = arith.constant 0 : i32
    return %c0_i32, %c0_i32_0 : i32, i32
  }
  func.func @transform_2(%arg0: i32) -> (i32, i32) {
    %c0_i32 = arith.constant 0 : i32
    %c0_i32_0 = arith.constant 0 : i32
    %c0_i32_1 = arith.constant 0 : i32
    return %c0_i32, %c0_i32_0 : i32, i32
  }
}

module attributes {stable_mosaic.version = 14 : i64} {
  func.func @_tp_body(%arg0: i32, %arg1: memref<48x6400xf32, #tpu.memory_space<vmem>>, %arg2: memref<6400x128xf32, #tpu.memory_space<vmem>>, %arg3: memref<9x6400xf32, #tpu.memory_space<vmem>>, %arg4: memref<48x48xf32, #tpu.memory_space<vmem>>, %arg5: memref<48x1xf32, #tpu.memory_space<vmem>>, %arg6: memref<320x48xf32, #tpu.memory_space<vmem>>, %arg7: memref<320x1xf32, #tpu.memory_space<vmem>>, %arg8: memref<16x320xf32, #tpu.memory_space<vmem>>, %arg9: memref<320x32xf32, #tpu.memory_space<vmem>>, %arg10: memref<9x32xf32, #tpu.memory_space<vmem>>, %arg11: memref<6400x128xf32, #tpu.memory_space<vmem>>) attributes {dimension_semantics = [#tpu.dimension_semantics<arbitrary>], iteration_bounds = array<i64: 25>, scalar_prefetch = 0 : i64, scratch_operands = 0 : i64, tpu.core_type = #tpu.core_type<tc>, window_params = [{transform_indices = @transform_0, window_bounds = array<i64: 48, 6400>}, {transform_indices = @transform_1, window_bounds = array<i64: 6400, 128>}, {transform_indices = @transform_2, window_bounds = array<i64: 9, 6400>}, {pipeline_mode = #tpu.pipeline_mode<synchronous>, transform_indices = @transform_3, window_bounds = array<i64: 48, 48>}, {pipeline_mode = #tpu.pipeline_mode<synchronous>, transform_indices = @transform_4, window_bounds = array<i64: 48, 1>}, {pipeline_mode = #tpu.pipeline_mode<synchronous>, transform_indices = @transform_5, window_bounds = array<i64: 320, 48>}, {pipeline_mode = #tpu.pipeline_mode<synchronous>, transform_indices = @transform_6, window_bounds = array<i64: 320, 1>}, {pipeline_mode = #tpu.pipeline_mode<synchronous>, transform_indices = @transform_7, window_bounds = array<i64: 16, 320>}, {pipeline_mode = #tpu.pipeline_mode<synchronous>, transform_indices = @transform_8, window_bounds = array<i64: 320, 32>}, {pipeline_mode = #tpu.pipeline_mode<synchronous>, transform_indices = @transform_9, window_bounds = array<i64: 9, 32>}, {transform_indices = @transform_10, window_bounds = array<i64: 6400, 128>}]} {
    %get3A = arith.constant 0 : index
    %get3A_0 = arith.constant 0 : index
    %get3A_1 = vector.load %arg4[%get3A, %get3A_0] : memref<48x48xf32, #tpu.memory_space<vmem>>, vector<48x48xf32>
    %get3A_2 = arith.constant 0 : index
    %get3A_3 = arith.constant 0 : index
    %get3A_4 = vector.load %arg1[%get3A_2, %get3A_3] : memref<48x6400xf32, #tpu.memory_space<vmem>>, vector<48x6400xf32>
    %dot_general3A = arith.constant dense<0.000000e+00> : vector<48x6400xf32>
    %dot_general3A_5 = tpu.matmul %get3A_1, %get3A_4, %dot_general3A {dimension_numbers = #tpu.dot_dimension_numbers<[1], [0], [0], [1], [0, 0, 1, 1], [], []>, transpose_lhs_hint = false} : vector<48x48xf32>, vector<48x6400xf32>, vector<48x6400xf32> -> vector<48x6400xf32>
    %get3A_6 = arith.constant 0 : index
    %get3A_7 = arith.constant 0 : index
    %get3A_8 = vector.load %arg5[%get3A_6, %get3A_7] : memref<48x1xf32, #tpu.memory_space<vmem>>, vector<48x1xf32>
    %add3A = vector.broadcast %get3A_8 : vector<48x1xf32> to vector<48x6400xf32>
    %add3A_9 = arith.addf %dot_general3A_5, %add3A : vector<48x6400xf32>
    %max3A = arith.constant 0.000000e+00 : f32
    %max3A_10 = vector.broadcast %max3A : f32 to vector<48x6400xf32>
    %max3A_11 = arith.maximumf %add3A_9, %max3A_10 : vector<48x6400xf32>
    %get3A_12 = arith.constant 0 : index
    %get3A_13 = arith.constant 0 : index
    %get3A_14 = vector.load %arg6[%get3A_12, %get3A_13] : memref<320x48xf32, #tpu.memory_space<vmem>>, vector<320x48xf32>
    %dot_general3A_15 = arith.constant dense<0.000000e+00> : vector<320x6400xf32>
    %dot_general3A_16 = tpu.matmul %get3A_14, %max3A_11, %dot_general3A_15 {dimension_numbers = #tpu.dot_dimension_numbers<[1], [0], [0], [1], [0, 0, 1, 1], [], []>, transpose_lhs_hint = false} : vector<320x48xf32>, vector<48x6400xf32>, vector<320x6400xf32> -> vector<320x6400xf32>
    %get3A_17 = arith.constant 0 : index
    %get3A_18 = arith.constant 0 : index
    %get3A_19 = vector.load %arg7[%get3A_17, %get3A_18] : memref<320x1xf32, #tpu.memory_space<vmem>>, vector<320x1xf32>
    %add3A_20 = vector.broadcast %get3A_19 : vector<320x1xf32> to vector<320x6400xf32>
    %add3A_21 = arith.addf %dot_general3A_16, %add3A_20 : vector<320x6400xf32>
    %get3A_22 = arith.constant 0 : index
    %get3A_23 = arith.constant 0 : index
    %get3A_24 = vector.load %arg2[%get3A_22, %get3A_23] : memref<6400x128xf32, #tpu.memory_space<vmem>>, vector<6400x16xf32>
    %get3A_25 = arith.constant 0 : index
    %get3A_26 = arith.constant 0 : index
    %get3A_27 = vector.load %arg8[%get3A_25, %get3A_26] : memref<16x320xf32, #tpu.memory_space<vmem>>, vector<16x320xf32>
    %dot_general3A_28 = arith.constant dense<0.000000e+00> : vector<320x6400xf32>
    %dot_general3A_29 = tpu.matmul %get3A_27, %get3A_24, %dot_general3A_28 {dimension_numbers = #tpu.dot_dimension_numbers<[0], [1], [1], [0], [0, 1, 1, 0], [], []>, transpose_lhs_hint = false} : vector<16x320xf32>, vector<6400x16xf32>, vector<320x6400xf32> -> vector<320x6400xf32>
    %mul3A = arith.mulf %dot_general3A_29, %add3A_21 : vector<320x6400xf32>
    %get3A_30 = arith.constant 0 : index
    %get3A_31 = arith.constant 0 : index
    %get3A_32 = vector.load %arg9[%get3A_30, %get3A_31] : memref<320x32xf32, #tpu.memory_space<vmem>>, vector<320x32xf32>
    %dot_general3A_33 = arith.constant dense<0.000000e+00> : vector<6400x32xf32>
    %dot_general3A_34 = tpu.matmul %mul3A, %get3A_32, %dot_general3A_33 {dimension_numbers = #tpu.dot_dimension_numbers<[0], [0], [1], [1], [0, 1, 1, 1], [], []>, transpose_lhs_hint = false} : vector<320x6400xf32>, vector<320x32xf32>, vector<6400x32xf32> -> vector<6400x32xf32>
    %get3A_35 = arith.constant 0 : index
    %get3A_36 = arith.constant 0 : index
    %get3A_37 = vector.load %arg3[%get3A_35, %get3A_36] : memref<9x6400xf32, #tpu.memory_space<vmem>>, vector<9x6400xf32>
    %get3A_38 = arith.constant 0 : index
    %get3A_39 = arith.constant 0 : index
    %get3A_40 = vector.load %arg10[%get3A_38, %get3A_39] : memref<9x32xf32, #tpu.memory_space<vmem>>, vector<9x32xf32>
    %dot_general3A_41 = arith.constant dense<0.000000e+00> : vector<6400x32xf32>
    %dot_general3A_42 = tpu.matmul %get3A_37, %get3A_40, %dot_general3A_41 {dimension_numbers = #tpu.dot_dimension_numbers<[0], [0], [1], [1], [0, 1, 1, 1], [], []>, transpose_lhs_hint = false} : vector<9x6400xf32>, vector<9x32xf32>, vector<6400x32xf32> -> vector<6400x32xf32>
    %iota3A = tpu.iota {dimensions = array<i32: 1>} : vector<6400x32xi32>
    %mul3A_43 = arith.mulf %dot_general3A_34, %dot_general3A_42 : vector<6400x32xf32>
    %eq3A = arith.constant 28 : i32
    %eq3A_44 = vector.broadcast %eq3A : i32 to vector<6400x32xi32>
    %eq3A_45 = arith.cmpi eq, %iota3A, %eq3A_44 : vector<6400x32xi32>
    %jit3A = arith.constant 1.000000e+00 : f32
    %jit3A_46 = arith.constant 0.000000e+00 : f32
    %broadcast_in_dim3A = vector.broadcast %jit3A : f32 to vector<6400x32xf32>
    %broadcast_in_dim3A_47 = vector.broadcast %jit3A_46 : f32 to vector<6400x32xf32>
    %select_n3A = arith.select %eq3A_45, %broadcast_in_dim3A, %broadcast_in_dim3A_47 : vector<6400x32xi1>, vector<6400x32xf32>
    %add3A_48 = arith.addf %mul3A_43, %select_n3A : vector<6400x32xf32>
    %swap3A = arith.constant 0 : index
    %swap3A_49 = arith.constant 0 : index
    %swap3A_50 = vector.load %arg11[%swap3A, %swap3A_49] : memref<6400x128xf32, #tpu.memory_space<vmem>>, vector<6400x32xf32>
    tpu.vector_store %arg11[%swap3A, %swap3A_49], %add3A_48 {strides = array<i32>} : memref<6400x128xf32, #tpu.memory_space<vmem>>, vector<6400x32xf32>,
    return
  }
  func.func @transform_0(%arg0: i32) -> (i32, i32) {
    %c0_i32 = arith.constant 0 : i32
    %c0_i32_0 = arith.constant 0 : i32
    return %c0_i32, %arg0 : i32, i32
  }
  func.func @transform_1(%arg0: i32) -> (i32, i32) {
    %c0_i32 = arith.constant 0 : i32
    %c0_i32_0 = arith.constant 0 : i32
    return %arg0, %c0_i32 : i32, i32
  }
  func.func @transform_2(%arg0: i32) -> (i32, i32) {
    %c0_i32 = arith.constant 0 : i32
    %c0_i32_0 = arith.constant 0 : i32
    return %c0_i32, %arg0 : i32, i32
  }
  func.func @transform_3(%arg0: i32) -> (i32, i32) {
    %c0_i32 = arith.constant 0 : i32
    %c0_i32_0 = arith.constant 0 : i32
    %c0_i32_1 = arith.constant 0 : i32
    return %c0_i32, %c0_i32_0 : i32, i32
  }
  func.func @transform_4(%arg0: i32) -> (i32, i32) {
    %c0_i32 = arith.constant 0 : i32
    %c0_i32_0 = arith.constant 0 : i32
    %c0_i32_1 = arith.constant 0 : i32
    return %c0_i32, %c0_i32_0 : i32, i32
  }
  func.func @transform_5(%arg0: i32) -> (i32, i32) {
    %c0_i32 = arith.constant 0 : i32
    %c0_i32_0 = arith.constant 0 : i32
    %c0_i32_1 = arith.constant 0 : i32
    return %c0_i32, %c0_i32_0 : i32, i32
  }
  func.func @transform_6(%arg0: i32) -> (i32, i32) {
    %c0_i32 = arith.constant 0 : i32
    %c0_i32_0 = arith.constant 0 : i32
    %c0_i32_1 = arith.constant 0 : i32
    return %c0_i32, %c0_i32_0 : i32, i32
  }
  func.func @transform_7(%arg0: i32) -> (i32, i32) {
    %c0_i32 = arith.constant 0 : i32
    %c0_i32_0 = arith.constant 0 : i32
    %c0_i32_1 = arith.constant 0 : i32
    return %c0_i32, %c0_i32_0 : i32, i32
  }
  func.func @transform_8(%arg0: i32) -> (i32, i32) {
    %c0_i32 = arith.constant 0 : i32
    %c0_i32_0 = arith.constant 0 : i32
    %c0_i32_1 = arith.constant 0 : i32
    return %c0_i32, %c0_i32_0 : i32, i32
  }
  func.func @transform_9(%arg0: i32) -> (i32, i32) {
    %c0_i32 = arith.constant 0 : i32
    %c0_i32_0 = arith.constant 0 : i32
    %c0_i32_1 = arith.constant 0 : i32
    return %c0_i32, %c0_i32_0 : i32, i32
  }
  func.func @transform_10(%arg0: i32) -> (i32, i32) {
    %c0_i32 = arith.constant 0 : i32
    %c0_i32_0 = arith.constant 0 : i32
    return %arg0, %c0_i32 : i32, i32
  }
}

</mosaic_0001>

<sc_bundles>
// kernel: kernel.6.cloned.1.call-start
scs
__scs_entry_jumppad:
0x0: {  	(pc) =	sbr.rel $0x88, $3  }
0x1: {  	(tag) =	ssettag $0x0;
	lr =	simm.s32 $0x1  }
0x2: {  	[smem:$0x3F99] =	sst lr;
	_ =	strace $0xD0000000  }
0x3: {  	_ = 	snop  }
0x4: {  	_ = 	snop  }
0x5: {  	_ = 	snop  }
0x6: {  	_ = 	snop  }
0x7: {  	_ = 	snop  }
__scs_overlays_trampoline_lowered:
0x8: {  	[smem:$0x3FA8] =	sst s0  }
0x9: {  	[smem:$0x3FA9] =	sst s1  }
0xa: {  	[smem:$0x3FAA] =	sst s2  }
0xb: {  	[smem:$0x3FAB] =	sst s3  }
0xc: {  	[smem:$0x3FAC] =	sst s4  }
0xd: {  	[smem:$0x3FAD] =	sst s5  }
0xe: {  	[smem:$0x3FAE] =	sst s6  }
0xf: {  	[smem:$0x3FAF] =	sst s7  }
0x10: {  	[smem:$0x3FB0] =	sst s8  }
0x11: {  	[smem:$0x3FB1] =	sst s9;
	s0 =	simm.s32 @!p0 $0x0  }
0x12: {  	s1 =	sld [smem:$0x3F97];
	s0 =	simm.s32 @p0 $0x1  }
0x13: {  	[smem:$0x3FB2] =	sst s0;
	s0 =	simm.s32 @!p1 $0x0  }
0x14: {  	s2 =	sld [smem:$0x3F96];
	s0 =	simm.s32 @p1 $0x1  }
0x15: {  	[smem:$0x3FB3] =	sst s0;
	s0 =	simm.s32 @!p2 $0x0  }
0x16: {  	s3 =	sld [smem:$0x3FDB];
	s0 =	simm.s32 @p2 $0x1  }
0x17: {  	s4 =	simm.s32 $0x1BF5;
	[smem:$0x3FB5] =	sst s0  }
0x18: {  	s0 =	sld [smem:$0x3F98];
	_ =	swait.ge [sflag:s4], $0x0  }
0x19: {  	s7 =	sld [smem:$0x3F99]  }
0x1a: {  	s8 =	sadd.s32 $0xFFFFE003, lr  }
0x1b: {  	s9 =	sadd.s32 $0xFFFFFEF7, lr;
	s5 =	simm.s32 $0xFFFFFFFF;
	p2 =	slt.u32 s8, $0xFFFFF086  }
0x1c: {  	p1 =	slt.u32 s9, $0xF7A;
	s5 =	simm.s32 @!p2 $0x0  }
0x1d: {  	s5 =	simm.s32 @p1 $0x1;
	p0 =	seq.s32 s7, s2  }
0x1e: {  	s7 =	smul.u32 @!p0 $0xF7A, s2;
	p2 =	seq.s32 @!p0 s5, $0x0  }
0x1f: {  	s9 =	smul.u32 $0xF7A, s1;
	s8 =	simm.s32 @!p0 $0x1BF5;
	p2 =	por !p2, p0  }
0x20: {  	[sflag:s8] =	ssyncset.s32 @!p0 $0xFFFFF086;
	s6 =	sadd.s32 @!p0 s3, s7;
	s7 =	simm.s32 @!p0 $0x108  }
0x21: {  	s3 =	sadd.s32 s3, s9;
	s6 =	sadd.s32 @!p0 $0x88, s6;
	s7 =	simm.s32 @p2 $0x1082  }
0x22: {  	[simem:s7], [sflag:s8] =	dma.local @!p0 [hbm:s6], $0xF7A  }
0x23: {  	s9 =	sor.u32 $0xD0000000, s2;
	s6 =	simm.s32 $0x108;
	_ =	swait.ge @!p0 [sflag:s8], $0x0  }
0x24: {  	s3 =	sadd.s32 $0x88, s3;
	s6 =	simm.s32 @!p1 $0x1082;
	[sflag:s4] =	ssyncset.s32 $0xFFFFF086  }
0x25: {  	[simem:s6], [sflag:s4] =	dma.local [hbm:s3], $0xF7A  }
0x26: {  	[smem:$0x3F99] =	sst s1;
	(tag) =	ssettag s2;
	_ =	strace s9  }
0x27: {  	s1 =	sld [smem:$0x3FA9]  }
0x28: {  	s2 =	sld [smem:$0x3FAA]  }
0x29: {  	s4 =	sld [smem:$0x3FAC]  }
0x2a: {  	p0 =	seq.s32 s5, $0x0;
	s5 =	sld [smem:$0x3FAD]  }
0x2b: {  	s6 =	sld [smem:$0x3FAE]  }
0x2c: {  	s7 =	sld [smem:$0x3FAF]  }
0x2d: {  	s3 =	simm.s32 $0x108;
	s8 =	sld [smem:$0x3FB0]  }
0x2e: {  	s3 =	simm.s32 @!p0 $0x1082;
	s9 =	sld [smem:$0x3FB1]  }
0x2f: {  	lr =	sadd.s32 s0, s3;
	s0 =	sld [smem:$0x3FA8]  }
0x30: {  	s3 =	sld [smem:$0x3FAB]  }
0x31: {  	[smem:$0x3FB4] =	sst s10  }
0x32: {  	s10 =	sld [smem:$0x3FB2];
	_ =	sdelay $0x3  }
0x33: {  	p0 =	seq.s32 s10, $0x1;
	s10 =	sld [smem:$0x3FB4];
	_ =	sdelay $0x3  }
0x34: {  	[smem:$0x3FB4] =	sst s10  }
0x35: {  	s10 =	sld [smem:$0x3FB3];
	_ =	sdelay $0x3  }
0x36: {  	p1 =	seq.s32 s10, $0x1;
	s10 =	sld [smem:$0x3FB4];
	_ =	sdelay $0x3  }
0x37: {  	[smem:$0x3FB4] =	sst s10  }
0x38: {  	s10 =	sld [smem:$0x3FB5]  }
0x39: {  	_ = 	snop;
	(pc) =	sbr.ind lr, $3  }
0x3a: {  	_ = 	snop  }
0x3b: {  	_ = 	snop  }
0x3c: {  	p2 =	seq.s32 s10, $0x1;
	s10 =	sld [smem:$0x3FB4]  }
0x3d: {  	_ =	shalt  }
0x3e: {  	_ =	shalt  }
0x3f: {  	_ =	shalt  }
0x40: {  	_ =	shalt  }
0x41: {  	_ =	shalt  }
0x42: {  	_ =	shalt  }
0x43: {  	_ =	shalt  }
0x44: {  	_ =	shalt  }
0x45: {  	_ =	shalt  }
0x46: {  	_ =	shalt  }
0x47: {  	_ =	shalt  }
0x48: {  	_ =	shalt  }
0x49: {  	_ =	shalt  }
0x4a: {  	_ =	shalt  }
0x4b: {  	_ =	shalt  }
0x4c: {  	_ =	shalt  }
0x4d: {  	_ =	shalt  }
0x4e: {  	_ =	shalt  }
0x4f: {  	_ =	shalt  }
0x50: {  	_ =	shalt  }
0x51: {  	_ =	shalt  }
0x52: {  	_ =	shalt  }
0x53: {  	_ =	shalt  }
0x54: {  	_ =	shalt  }
0x55: {  	_ =	shalt  }
0x56: {  	_ =	shalt  }
0x57: {  	_ =	shalt  }
0x58: {  	_ =	shalt  }
0x59: {  	_ =	shalt  }
0x5a: {  	_ =	shalt  }
0x5b: {  	_ =	shalt  }
0x5c: {  	_ =	shalt  }
0x5d: {  	_ =	shalt  }
0x5e: {  	_ =	shalt  }
0x5f: {  	_ =	shalt  }
0x60: {  	_ =	shalt  }
0x61: {  	_ =	shalt  }
0x62: {  	_ =	shalt  }
0x63: {  	_ =	shalt  }
0x64: {  	_ =	shalt  }
0x65: {  	_ =	shalt  }
0x66: {  	_ =	shalt  }
0x67: {  	_ =	shalt  }
0x68: {  	_ =	shalt  }
0x69: {  	_ =	shalt  }
0x6a: {  	_ =	shalt  }
0x6b: {  	_ =	shalt  }
0x6c: {  	_ =	shalt  }
0x6d: {  	_ =	shalt  }
0x6e: {  	_ =	shalt  }
0x6f: {  	_ =	shalt  }
0x70: {  	_ =	shalt  }
0x71: {  	_ =	shalt  }
0x72: {  	_ =	shalt  }
0x73: {  	_ =	shalt  }
0x74: {  	_ =	shalt  }
0x75: {  	_ =	shalt  }
0x76: {  	_ =	shalt  }
0x77: {  	_ =	shalt  }
0x78: {  	_ =	shalt  }
0x79: {  	_ =	shalt  }
0x7a: {  	_ =	shalt  }
0x7b: {  	_ =	shalt  }
0x7c: {  	_ =	shalt  }
0x7d: {  	_ =	shalt  }
0x7e: {  	_ =	shalt  }
0x7f: {  	_ =	shalt  }
0x80: {  	_ =	shalt  }
0x81: {  	_ =	shalt  }
0x82: {  	_ =	shalt  }
0x83: {  	_ =	shalt  }
0x84: {  	_ =	shalt  }
0x85: {  	_ =	shalt  }
0x86: {  	_ =	shalt  }
0x87: {  	_ =	shalt  }
.Lfunc_end0:
.L_simem_size_0:
called_computation_lowered:
.L_overlay_start_0:
0x88: {  	s2 =	sld [smem:$0x3FD9]  }
0x89: {  	s3 =	sld [smem:$0x3FFE];
	_ =	sdelay $0x1  }
0x8a: {  	s1 =	srdreg.scid  }
0x8b: {  	s0 =	sand.u32 $0x1, s1  }
0x8c: {  	s17 =	sshll.u32 s0, $0xA;
	s2 =	sadd.s32 s3, s2  }
0x8d: {  	s2 =	sadd.s32 s2, s17  }
0x8e: {  	[smem:$0x3FC0] =	sst s2  }
0x8f: {  	_ = 	snop  }
0x90: {  	s2 =	sld [smem:$0x3FD0];
	(tm) =	ssettm $0x1  }
0x91: {  	s18 =	sld [smem:$0x3FFB];
	_ =	sdelay $0x3  }
0x92: {  	_ =	strace s18  }
0x93: {  	s3 =	sld [smem:$0x3FFC];
	_ =	sdelay $0x3  }
0x94: {  	_ =	strace s3  }
0x95: {  	s3 =	sld [smem:$0x3FFD];
	_ =	sdelay $0x3  }
0x96: {  	_ =	strace s3  }
0x97: {  	_ =	strace $0x8FFFFFFF  }
0x98: {  	s19 =	sld [smem:$0x3FDB];
	_ =	sdelay $0x1  }
0x99: {  	s4 =	simm.s32 $_scs_section_size  }
0x9a: {  	s5 =	simm.s32 $_size__tile_overlayer_lowered;
	s6 =	simm.s32 $_tile_overlayer_lowered  }
0x9b: {  	s22 =	simm.s32 $0x1BFF;
	s21 =	sshll.u32 s6, $0x1;
	s3 =	sadd.s32 s4, s19  }
0x9c: {  	s7 =	simm.s32 $0x0;
	s20 =	sshll.u32 s5, $0x1;
	s5 =	sadd.s32 s21, s3  }
0x9d: {  	[timem:s7], [sflag:s22] =	dma.local [hbm:s5], s20  }
0x9e: {  	_ =	swait.ge [sflag:s22], s20  }
0x9f: {  	s4 =	ssub.s32 $0x0, s20;
	[sflag:s22] =	ssyncset.done $0x0  }
0xa0: {  	[sflag:s22] =	ssyncadd.s32 s4;
	_ =	sdelay $0x1  }
0xa1: {  	s23 =	simm.s32 $0x1B8B  }
0xa2: {  	_ =	swait.ge [sflag:s23], $0x1  }
0xa3: {  	[sflag:s23] =	ssyncset.done $0x0  }
0xa4: {  	s25 =	simm.s32 $0x1B8E;
	s24 =	sld [smem:$0x3FFE];
	[sflag:s23] =	ssyncadd.s32 $0xFFFFFFFF  }
0xa5: {  	s26 =	simm.s32 $execute0_lowered;
	[smem:$0x3FD2] =	sst s25  }
0xa6: {  	s5 =	sshll.u32 s26, $0x1;
	_ =	strace $0x80000046;
	[dreg:$0x1] =	wrdreg $0xFFFFFFFF  }
0xa7: {  	s28 =	simm.s32 $_size_execute0_lowered;
	s3 =	sadd.s32 s3, s5;
	[dreg:$0x0] =	wrdreg $0x0  }
0xa8: {  	s5 =	sshll.u32 s28, $0x1;
	[dreg:$0x2] =	wrdreg s3  }
0xa9: {  	[dreg:$0x3] =	wrdreg s5  }
0xaa: {  	[dreg:$0x4] =	wrdreg $0xC0  }
0xab: {  	_ =	task [dreg:s7], $0x5FFFF  }
0xac: {  	[dreg:$0x1] =	wrdreg $0xFFFFFFFF  }
0xad: {  	[dreg:$0x0] =	wrdreg $0x60  }
0xae: {  	[dreg:$0x2] =	wrdreg s24  }
0xaf: {  	[dreg:$0x3] =	wrdreg s2  }
0xb0: {  	[dreg:$0x4] =	wrdreg $0x9  }
0xb1: {  	_ =	task.clear_ibuf [dreg:s7], $0x5FFFF;
	_ =	strace $0x90000046  }
0xb2: {  	s29 =	simm.s32 $0x9;
	_ =	strace $0x80000048  }
0xb3: {  	_ =	swait.ge [sflag:s29], $0x1  }
0xb4: {  	[sflag:s29] =	ssyncadd.s32 $0xFFFFFFFF  }
0xb5: {  	_ =	strace $0x90000048  }
0xb6: {  	_ =	sfence  }
0xb7: {  	s30 =	sld [smem:$0x0];
	_ =	sdelay $0x2  }
0xb8: {  	s31 =	sshll.u32 s1, $0xD;
	s1 =	sshrl.u32 s1, $0x2  }
0xb9: {  	s3 =	sand.u32 $0x4000, s31;
	s1 =	sadd.s32 s1, s30  }
0xba: {  	s0 =	sor.u32 s3, s0;
	s1 =	sshll.u32 s1, $0x11  }
0xbb: {  	s0 =	sor.u32 s1, s0  }
0xbc: {  	s0 =	sadd.s32 $0x8F2B, s0  }
0xbd: {  	[sflag:s0] =	ssyncadd.remote.s32 $0x1  }
0xbe: {  	_ =	sfence.sel $0xFFFF  }
0xbf: {  	[dreg:$0x0] =	wrdreg $0xFFFFFFFF;
	(pc) =	sbr.abs _section_cstart, $3  }
0xc0: {  	[dreg:$0x1] =	wrdreg $0xFFFFFFFF  }
0xc1: {  	_ =	task.clear_ibuf [dreg:s7], $0x2FFFF;
	_ =	strace $0x9FFFFFFF  }
0xc2: {  	(tm) =	ssettm $0x7FFFFFFF  }
0xc3: {  	_ =	shalt  }
tec
execute0_lowered:
.L_overlay_start_1:
0x0: {  	(tag) =	ssettag $0x1  }
0x1: {  	s4 =	rddreg [dreg:$0x0]  }
0x2: {  	s1 =	srdreg.scid;
	s0 =	stileid.u32  }
0x3: {  	s5 =	rddreg [dreg:$0x1];
	s2 =	simm.s32 $0x0;
	s10 =	simm.s32 $0x10  }
0x4: {  	s11 =	simm.s32 $0x80;
	s12 =	simm.s32 $0x1388;
	s13 =	simm.s32 $0x0  }
0x5: {  	s3 =	sand.u32 $0x1, s1;
	s6 =	sshll.u32 s0, $0x1;
	s1 =	rddreg [dreg:$0x2]  }
0x6: {  	[smem:$0x7FF] =	sst s2;
	s6 =	sor.u32 s3, s6;
	s8 =	ssub.s32 $0x2, s3  }
0x7: {  	_ =	strace $0x80000047;
	s7 =	smul.u32 $0x1388, s6;
	s9 =	sshrl.u32 s8, $0x1  }
0x8: {  	s3 =	sadd.s32 $0x2600, s4;
	s6 =	smul.u32 $0x13880, s6;
	s31 =	ssub.s32 s8, s9  }
0x9: {  	s8 =	simm.s32 $0x28;
	s9 =	simm.s32 $0x1;
	s7 =	sshrl.u32 s7, $0x3  }
0xa: {  	s6 =	sadd.s32 s6, s4;
	s5 =	sadd.s32 s5, s7;
	s7 =	simm.s32 $0x2  }
0xb: {  	s4 =	sadd.s32 $0x4E20, s5;
	s5 =	sadd.s32 $0x7600, s6;
	s6 =	smax.u32 s31, $0x1  }
.LBB2_1:
0xc: {  	[tilespmem:s2], [sflag:$0x2] =	stream.linear.gather [hbm4b:s4+s2], $0x1388, $0x38;
	[tilespmem:$0x14C08] =	vst v63  }
0xd: {  	_ =	swait.ge [sflag:s7], $0x1388  }
0xe: {  	[sflag:s7] =	ssyncset.done $0x0  }
0xf: {  	s14 =	simm.s32 $0x1388;
	s15 =	simm.s32 $0x0;
	[sflag:s7] =	ssyncadd.s32 $0xFFFFEC78  }
.LBB2_2:
0x10: {  	p0 =	sne.s32 s15, $0x4D80  }
.Ltmp0:
0x11: {  	_ = 	snop;
	(pc) =	sbr.rel @p0 .LBB2_2-.Ltmp0, $4  }
0x12: {  	_ = 	snop  }
0x13: {  	s16 =	sshra.s32 s15, $0x2  }
0x14: {  	[tilespmem:s14], [sflag:$0x1] =	stream.indirect.gather [hbm4b:s3+s8], $0x10, s16, s8, $0xb8;
	[tilespmem:$0x14C08] =	vst v63  }
0x15: {  	s15 =	sadd.s32 $0xA0, s15;
	s14 =	sadd.s32 $0x280, s14  }
0x16: {  	_ =	swait.ge [sflag:s9], $0x280  }
0x17: {  	s14 =	simm.s32 $0x7C;
	[sflag:s9] =	ssyncset.done $0x0  }
.LBB2_4:
0x18: {  	p0 =	sne.s32 s14, $0x1;
	s14 =	sadd.s32 $0xFFFFFFFF, s14;
	[sflag:s9] =	ssyncadd.s32 $0xFFFFFD80  }
.Ltmp1:
0x19: {  	(pc) =	sbr.rel @p0 .LBB2_4-.Ltmp1, $3  }
0x1a: {  	_ =	sdelay $0x1  }
0x1b: {  	_ =	swait.ge [sflag:s9], $0x280  }
0x1c: {  	[sflag:s9] =	ssyncset.done $0x0  }
0x1d: {  	s13 =	sadd.s32 $0x1, s13  }
0x1e: {  	p0 =	sne.s32 s13, s6  }
.Ltmp2:
0x1f: {  	[sflag:s9] =	ssyncadd.s32 $0xFFFFFD80;
	(pc) =	sbr.rel @p0 .LBB2_1-.Ltmp2, $4  }
0x20: {  	[hbm4b:s5+s10] =	stream.strided.scatter [tilespmem:s12], [sflag:$0x2], $0x13880, s11, s10, $0x38;
	[tilespmem:$0x14C08] =	vst v63  }
0x21: {  	_ =	swait.ge [sflag:s7], $0x13880  }
0x22: {  	[sflag:s7] =	ssyncset.done $0x0  }
0x23: {  	[sflag:s7] =	ssyncadd.s32 $0xFFFEC780  }
0x24: {  	_ =	sfence.sel $0x180000  }
0x25: {  	[bflag:$0x0] =	sbarrier.arrive $0xFFFF  }
0x26: {  	p0 =	sne.s32 s0, $0x0;
	_ =	strace $0x90000047  }
0x27: {  	s0 =	sadd.s32 @!p0 $0x100000, s1;
	[bflag:$0x2] =	sbarrier.arrive $0xFFFF  }
0x28: {  	[sflag:s0] =	ssyncadd.tile.s32 @!p0 $0x1;
	_ =	shalt  }
.Lfunc_end2:
_tile_overlayer_lowered:
.L_overlay_start_2:
0x29: {  	(tag) =	ssettag $0x2  }
0x2a: {  	s0 =	rddreg [dreg:$0x0];
	s2 =	stileid.u32  }
0x2b: {  	s1 =	rddreg [dreg:$0x1];
	p0 =	sne.s32 s2, $0x0  }
0x2c: {  	s3 =	rddreg [dreg:$0x2];
	[bflag:$0x3] =	sbarrier.arrive $0xFFFF;
	s2 =	simm.s32 @!p0 $0x1C02  }
0x2d: {  	[timem:s3], [sflag:s2] =	dma.local @!p0 [hbm:s0], s1  }
0x2e: {  	s0 =	simm.s32 @!p0 $0x2  }
0x2f: {  	_ =	swait.ge @!p0 [sflag:s0], s1  }
0x30: {  	s1 =	ssub.s32 @!p0 $0x0, s1;
	[sflag:s0] =	ssyncset.done @!p0 $0x0  }
0x31: {  	[sflag:s0] =	ssyncadd.s32 @!p0 s1  }
0x32: {  	[bflag:$0x3] =	sbarrier.arrive $0xFFFF  }
0x33: {  	_ =	shalt  }

// kernel: kernel.9.cloned.1.call-start
scs
__scs_entry_jumppad:
0x0: {  	(pc) =	sbr.rel $0x88, $3  }
0x1: {  	(tag) =	ssettag $0x0;
	lr =	simm.s32 $0x1  }
0x2: {  	[smem:$0x3F99] =	sst lr;
	_ =	strace $0xD0000000  }
0x3: {  	_ = 	snop  }
0x4: {  	_ = 	snop  }
0x5: {  	_ = 	snop  }
0x6: {  	_ = 	snop  }
0x7: {  	_ = 	snop  }
__scs_overlays_trampoline_lowered:
0x8: {  	[smem:$0x3FA8] =	sst s0  }
0x9: {  	[smem:$0x3FA9] =	sst s1  }
0xa: {  	[smem:$0x3FAA] =	sst s2  }
0xb: {  	[smem:$0x3FAB] =	sst s3  }
0xc: {  	[smem:$0x3FAC] =	sst s4  }
0xd: {  	[smem:$0x3FAD] =	sst s5  }
0xe: {  	[smem:$0x3FAE] =	sst s6  }
0xf: {  	[smem:$0x3FAF] =	sst s7  }
0x10: {  	[smem:$0x3FB0] =	sst s8  }
0x11: {  	[smem:$0x3FB1] =	sst s9;
	s0 =	simm.s32 @!p0 $0x0  }
0x12: {  	s1 =	sld [smem:$0x3F97];
	s0 =	simm.s32 @p0 $0x1  }
0x13: {  	[smem:$0x3FB2] =	sst s0;
	s0 =	simm.s32 @!p1 $0x0  }
0x14: {  	s2 =	sld [smem:$0x3F96];
	s0 =	simm.s32 @p1 $0x1  }
0x15: {  	[smem:$0x3FB3] =	sst s0;
	s0 =	simm.s32 @!p2 $0x0  }
0x16: {  	s3 =	sld [smem:$0x3FDB];
	s0 =	simm.s32 @p2 $0x1  }
0x17: {  	s4 =	simm.s32 $0x1BF5;
	[smem:$0x3FB5] =	sst s0  }
0x18: {  	s0 =	sld [smem:$0x3F98];
	_ =	swait.ge [sflag:s4], $0x0  }
0x19: {  	s7 =	sld [smem:$0x3F99]  }
0x1a: {  	s8 =	sadd.s32 $0xFFFFE003, lr  }
0x1b: {  	s9 =	sadd.s32 $0xFFFFFEF7, lr;
	s5 =	simm.s32 $0xFFFFFFFF;
	p2 =	slt.u32 s8, $0xFFFFF086  }
0x1c: {  	p1 =	slt.u32 s9, $0xF7A;
	s5 =	simm.s32 @!p2 $0x0  }
0x1d: {  	s5 =	simm.s32 @p1 $0x1;
	p0 =	seq.s32 s7, s2  }
0x1e: {  	s7 =	smul.u32 @!p0 $0xF7A, s2;
	p2 =	seq.s32 @!p0 s5, $0x0  }
0x1f: {  	s9 =	smul.u32 $0xF7A, s1;
	s8 =	simm.s32 @!p0 $0x1BF5;
	p2 =	por !p2, p0  }
0x20: {  	[sflag:s8] =	ssyncset.s32 @!p0 $0xFFFFF086;
	s6 =	sadd.s32 @!p0 s3, s7;
	s7 =	simm.s32 @!p0 $0x108  }
0x21: {  	s3 =	sadd.s32 s3, s9;
	s6 =	sadd.s32 @!p0 $0x88, s6;
	s7 =	simm.s32 @p2 $0x1082  }
0x22: {  	[simem:s7], [sflag:s8] =	dma.local @!p0 [hbm:s6], $0xF7A  }
0x23: {  	s9 =	sor.u32 $0xD0000000, s2;
	s6 =	simm.s32 $0x108;
	_ =	swait.ge @!p0 [sflag:s8], $0x0  }
0x24: {  	s3 =	sadd.s32 $0x88, s3;
	s6 =	simm.s32 @!p1 $0x1082;
	[sflag:s4] =	ssyncset.s32 $0xFFFFF086  }
0x25: {  	[simem:s6], [sflag:s4] =	dma.local [hbm:s3], $0xF7A  }
0x26: {  	[smem:$0x3F99] =	sst s1;
	(tag) =	ssettag s2;
	_ =	strace s9  }
0x27: {  	s1 =	sld [smem:$0x3FA9]  }
0x28: {  	s2 =	sld [smem:$0x3FAA]  }
0x29: {  	s4 =	sld [smem:$0x3FAC]  }
0x2a: {  	p0 =	seq.s32 s5, $0x0;
	s5 =	sld [smem:$0x3FAD]  }
0x2b: {  	s6 =	sld [smem:$0x3FAE]  }
0x2c: {  	s7 =	sld [smem:$0x3FAF]  }
0x2d: {  	s3 =	simm.s32 $0x108;
	s8 =	sld [smem:$0x3FB0]  }
0x2e: {  	s3 =	simm.s32 @!p0 $0x1082;
	s9 =	sld [smem:$0x3FB1]  }
0x2f: {  	lr =	sadd.s32 s0, s3;
	s0 =	sld [smem:$0x3FA8]  }
0x30: {  	s3 =	sld [smem:$0x3FAB]  }
0x31: {  	[smem:$0x3FB4] =	sst s10  }
0x32: {  	s10 =	sld [smem:$0x3FB2];
	_ =	sdelay $0x3  }
0x33: {  	p0 =	seq.s32 s10, $0x1;
	s10 =	sld [smem:$0x3FB4];
	_ =	sdelay $0x3  }
0x34: {  	[smem:$0x3FB4] =	sst s10  }
0x35: {  	s10 =	sld [smem:$0x3FB3];
	_ =	sdelay $0x3  }
0x36: {  	p1 =	seq.s32 s10, $0x1;
	s10 =	sld [smem:$0x3FB4];
	_ =	sdelay $0x3  }
0x37: {  	[smem:$0x3FB4] =	sst s10  }
0x38: {  	s10 =	sld [smem:$0x3FB5]  }
0x39: {  	_ = 	snop;
	(pc) =	sbr.ind lr, $3  }
0x3a: {  	_ = 	snop  }
0x3b: {  	_ = 	snop  }
0x3c: {  	p2 =	seq.s32 s10, $0x1;
	s10 =	sld [smem:$0x3FB4]  }
0x3d: {  	_ =	shalt  }
0x3e: {  	_ =	shalt  }
0x3f: {  	_ =	shalt  }
0x40: {  	_ =	shalt  }
0x41: {  	_ =	shalt  }
0x42: {  	_ =	shalt  }
0x43: {  	_ =	shalt  }
0x44: {  	_ =	shalt  }
0x45: {  	_ =	shalt  }
0x46: {  	_ =	shalt  }
0x47: {  	_ =	shalt  }
0x48: {  	_ =	shalt  }
0x49: {  	_ =	shalt  }
0x4a: {  	_ =	shalt  }
0x4b: {  	_ =	shalt  }
0x4c: {  	_ =	shalt  }
0x4d: {  	_ =	shalt  }
0x4e: {  	_ =	shalt  }
0x4f: {  	_ =	shalt  }
0x50: {  	_ =	shalt  }
0x51: {  	_ =	shalt  }
0x52: {  	_ =	shalt  }
0x53: {  	_ =	shalt  }
0x54: {  	_ =	shalt  }
0x55: {  	_ =	shalt  }
0x56: {  	_ =	shalt  }
0x57: {  	_ =	shalt  }
0x58: {  	_ =	shalt  }
0x59: {  	_ =	shalt  }
0x5a: {  	_ =	shalt  }
0x5b: {  	_ =	shalt  }
0x5c: {  	_ =	shalt  }
0x5d: {  	_ =	shalt  }
0x5e: {  	_ =	shalt  }
0x5f: {  	_ =	shalt  }
0x60: {  	_ =	shalt  }
0x61: {  	_ =	shalt  }
0x62: {  	_ =	shalt  }
0x63: {  	_ =	shalt  }
0x64: {  	_ =	shalt  }
0x65: {  	_ =	shalt  }
0x66: {  	_ =	shalt  }
0x67: {  	_ =	shalt  }
0x68: {  	_ =	shalt  }
0x69: {  	_ =	shalt  }
0x6a: {  	_ =	shalt  }
0x6b: {  	_ =	shalt  }
0x6c: {  	_ =	shalt  }
0x6d: {  	_ =	shalt  }
0x6e: {  	_ =	shalt  }
0x6f: {  	_ =	shalt  }
0x70: {  	_ =	shalt  }
0x71: {  	_ =	shalt  }
0x72: {  	_ =	shalt  }
0x73: {  	_ =	shalt  }
0x74: {  	_ =	shalt  }
0x75: {  	_ =	shalt  }
0x76: {  	_ =	shalt  }
0x77: {  	_ =	shalt  }
0x78: {  	_ =	shalt  }
0x79: {  	_ =	shalt  }
0x7a: {  	_ =	shalt  }
0x7b: {  	_ =	shalt  }
0x7c: {  	_ =	shalt  }
0x7d: {  	_ =	shalt  }
0x7e: {  	_ =	shalt  }
0x7f: {  	_ =	shalt  }
0x80: {  	_ =	shalt  }
0x81: {  	_ =	shalt  }
0x82: {  	_ =	shalt  }
0x83: {  	_ =	shalt  }
0x84: {  	_ =	shalt  }
0x85: {  	_ =	shalt  }
0x86: {  	_ =	shalt  }
0x87: {  	_ =	shalt  }
.Lfunc_end0:
.L_simem_size_0:
called_computation.1_lowered:
.L_overlay_start_0:
0x88: {  	s2 =	sld [smem:$0x3FD9]  }
0x89: {  	s3 =	sld [smem:$0x3FFE];
	_ =	sdelay $0x1  }
0x8a: {  	s1 =	srdreg.scid  }
0x8b: {  	s0 =	sand.u32 $0x1, s1  }
0x8c: {  	s17 =	sshll.u32 s0, $0xA;
	s2 =	sadd.s32 s3, s2  }
0x8d: {  	s2 =	sadd.s32 s2, s17  }
0x8e: {  	[smem:$0x3FC0] =	sst s2  }
0x8f: {  	_ = 	snop  }
0x90: {  	s2 =	sld [smem:$0x3FD0];
	(tm) =	ssettm $0x1  }
0x91: {  	s18 =	sld [smem:$0x3FFB];
	_ =	sdelay $0x3  }
0x92: {  	_ =	strace s18  }
0x93: {  	s3 =	sld [smem:$0x3FFC];
	_ =	sdelay $0x3  }
0x94: {  	_ =	strace s3  }
0x95: {  	s3 =	sld [smem:$0x3FFD];
	_ =	sdelay $0x3  }
0x96: {  	_ =	strace s3  }
0x97: {  	_ =	strace $0x8FFFFFFF  }
0x98: {  	s19 =	sld [smem:$0x3FDB];
	_ =	sdelay $0x1  }
0x99: {  	s4 =	simm.s32 $_scs_section_size  }
0x9a: {  	s5 =	simm.s32 $_size__tile_overlayer_lowered;
	s6 =	simm.s32 $_tile_overlayer_lowered  }
0x9b: {  	s22 =	simm.s32 $0x1BFF;
	s21 =	sshll.u32 s6, $0x1;
	s3 =	sadd.s32 s4, s19  }
0x9c: {  	s7 =	simm.s32 $0x0;
	s20 =	sshll.u32 s5, $0x1;
	s5 =	sadd.s32 s21, s3  }
0x9d: {  	[timem:s7], [sflag:s22] =	dma.local [hbm:s5], s20  }
0x9e: {  	_ =	swait.ge [sflag:s22], s20  }
0x9f: {  	s4 =	ssub.s32 $0x0, s20;
	[sflag:s22] =	ssyncset.done $0x0  }
0xa0: {  	[sflag:s22] =	ssyncadd.s32 s4;
	_ =	sdelay $0x1  }
0xa1: {  	s23 =	simm.s32 $0x1B8B  }
0xa2: {  	_ =	swait.ge [sflag:s23], $0x1  }
0xa3: {  	[sflag:s23] =	ssyncset.done $0x0  }
0xa4: {  	s25 =	simm.s32 $0x1B8E;
	s24 =	sld [smem:$0x3FFE];
	[sflag:s23] =	ssyncadd.s32 $0xFFFFFFFF  }
0xa5: {  	s26 =	simm.s32 $execute0_lowered;
	[smem:$0x3FD2] =	sst s25  }
0xa6: {  	s5 =	sshll.u32 s26, $0x1;
	_ =	strace $0x80000049;
	[dreg:$0x1] =	wrdreg $0xFFFFFFFF  }
0xa7: {  	s28 =	simm.s32 $_size_execute0_lowered;
	s3 =	sadd.s32 s3, s5;
	[dreg:$0x0] =	wrdreg $0x0  }
0xa8: {  	s5 =	sshll.u32 s28, $0x1;
	[dreg:$0x2] =	wrdreg s3  }
0xa9: {  	[dreg:$0x3] =	wrdreg s5  }
0xaa: {  	[dreg:$0x4] =	wrdreg $0xC0  }
0xab: {  	_ =	task [dreg:s7], $0x5FFFF  }
0xac: {  	[dreg:$0x1] =	wrdreg $0xFFFFFFFF  }
0xad: {  	[dreg:$0x0] =	wrdreg $0x60  }
0xae: {  	[dreg:$0x2] =	wrdreg s24  }
0xaf: {  	[dreg:$0x3] =	wrdreg s2  }
0xb0: {  	[dreg:$0x4] =	wrdreg $0x15BA80  }
0xb1: {  	[dreg:$0x5] =	wrdreg $0x9  }
0xb2: {  	_ =	task.clear_ibuf [dreg:s7], $0x6FFFF;
	_ =	strace $0x90000049  }
0xb3: {  	s29 =	simm.s32 $0x9;
	_ =	strace $0x8000004B  }
0xb4: {  	_ =	swait.ge [sflag:s29], $0x1  }
0xb5: {  	[sflag:s29] =	ssyncadd.s32 $0xFFFFFFFF  }
0xb6: {  	_ =	strace $0x9000004B  }
0xb7: {  	_ =	sfence  }
0xb8: {  	s30 =	sld [smem:$0x0];
	_ =	sdelay $0x2  }
0xb9: {  	s31 =	sshll.u32 s1, $0xD;
	s1 =	sshrl.u32 s1, $0x2  }
0xba: {  	s3 =	sand.u32 $0x4000, s31;
	s1 =	sadd.s32 s1, s30  }
0xbb: {  	s0 =	sor.u32 s3, s0;
	s1 =	sshll.u32 s1, $0x11  }
0xbc: {  	s0 =	sor.u32 s1, s0  }
0xbd: {  	s0 =	sadd.s32 $0x8F2B, s0  }
0xbe: {  	[sflag:s0] =	ssyncadd.remote.s32 $0x1  }
0xbf: {  	_ =	sfence.sel $0xFFFF  }
0xc0: {  	[dreg:$0x0] =	wrdreg $0xFFFFFFFF;
	(pc) =	sbr.abs _section_cstart, $3  }
0xc1: {  	[dreg:$0x1] =	wrdreg $0xFFFFFFFF  }
0xc2: {  	_ =	task.clear_ibuf [dreg:s7], $0x2FFFF;
	_ =	strace $0x9FFFFFFF  }
0xc3: {  	(tm) =	ssettm $0x7FFFFFFF  }
tec
execute0_lowered:
.L_overlay_start_1:
0x0: {  	(tag) =	ssettag $0x1  }
0x1: {  	s5 =	rddreg [dreg:$0x0]  }
0x2: {  	s9 =	rddreg [dreg:$0x1]  }
0x3: {  	s2 =	rddreg [dreg:$0x2];
	s4 =	srdreg.scid  }
0x4: {  	s1 =	stileid.u32;
	s0 =	simm.s32 $0x0;
	s15 =	simm.s32 $0x80  }
0x5: {  	s16 =	simm.s32 $0x1388;
	s18 =	simm.s32 $0x7D00;
	s17 =	simm.s32 $0x2  }
0x6: {  	s19 =	simm.s32 $0x3;
	s20 =	simm.s32 $0x10;
	s7 =	smul.u32 $0x13880, s1  }
0x7: {  	s21 =	simm.s32 $0x0;
	[smem:$0x7FF] =	sst s0;
	s12 =	smul.u32 $0x2710, s1  }
0x8: {  	s6 =	sand.u32 $0x1, s4;
	s4 =	sadd.s32 $0x278600, s5;
	s14 =	smul.u32 $0x138800, s1  }
0x9: {  	s25 =	sshll.u32 s1, $0x1;
	s8 =	smul.u32 $0x138800, s6;
	_ =	strace $0x8000004A  }
0xa: {  	s10 =	sor.u32 s6, s25;
	s11 =	ssub.s32 $0x2, s6;
	s13 =	smul.u32 $0x1388, s6  }
0xb: {  	s30 =	smul.u32 $0x9C400, s6;
	[dreg:$0x4] =	wrdreg s18;
	s18 =	simm.s32 $0x28  }
0xc: {  	s10 =	smul.u32 $0x9C400, s10;
	s26 =	sshrl.u32 s11, $0x1;
	s28 =	sshrl.u32 s7, $0x2  }
0xd: {  	s8 =	sadd.s32 s7, s8;
	s11 =	ssub.s32 s11, s26;
	s12 =	sadd.s32 s13, s12  }
0xe: {  	s13 =	simm.s32 $0x1;
	s8 =	sshrl.u32 s8, $0x3;
	s29 =	sshrl.u32 s10, $0x3  }
0xf: {  	s31 =	sshrl.u32 s12, $0x3;
	s10 =	sadd.s32 s30, s14;
	s12 =	simm.s32 $0x4  }
0x10: {  	s14 =	simm.s32 $0x20;
	s8 =	sadd.s32 s8, s5;
	s5 =	sadd.s32 s28, s2  }
0x11: {  	s6 =	sadd.s32 s4, s29;
	s9 =	sadd.s32 s31, s9;
	s10 =	sadd.s32 $0x1F400, s10  }
0x12: {  	v0 =	vimm.f32 $0.0e+00;
	s7 =	sadd.s32 $0x2600, s8;
	s8 =	smax.u32 s11, $0x1;
	s11 =	simm.s32 $0x10D88  }
.LBB2_1:
0x13: {  	s22 =	sadd.s32 $0x0, s9;
	s0 =	simm.s32 $0x0  }
0x14: {  	[tilespmem:s0], [sflag:$0x1] =	stream.linear.gather [hbm4b:s22+s0], $0x28, $0x38;
	[tilespmem:$0x1A9C8] =	vst v63  }
0x15: {  	s23 =	simm.s32 $0x0;
	s22 =	simm.s32 $0x5  }
.LBB2_2:
0x16: {  	p0 =	sne.s32 s22, $0x26C  }
.Ltmp0:
0x17: {  	_ = 	snop;
	(pc) =	sbr.rel @p0 .LBB2_2-.Ltmp0, $4  }
0x18: {  	_ = 	snop  }
0x19: {  	s24 =	sadd.s32 s22, s9;
	s23 =	sadd.s32 $0x28, s23  }
0x1a: {  	s25 =	simm.s32 $0x0;
	s22 =	sadd.s32 $0x5, s22  }
0x1b: {  	[tilespmem:s23], [sflag:$0x1] =	stream.linear.gather [hbm4b:s24+s25], $0x28, $0x38;
	[tilespmem:$0x1A9C8] =	vst v63  }
0x1c: {  	s22 =	simm.s32 $0x80;
	s23 =	simm.s32 $0x0  }
.LBB2_4:
0x1d: {  	p0 =	sne.s32 s22, $0x13800;
	[tilespmem:s23+$0x10D88] =	vst v0;
	s24 =	smov.u32 s22;
	s22 =	sadd.s32 $0x80, s22  }
.Ltmp1:
0x1e: {  	[tilespmem:s23+$0x10D98] =	vst v0;
	(pc) =	sbr.rel @p0 .LBB2_4-.Ltmp1, $2  }
0x1f: {  	_ =	sdelay $0x2  }
0x20: {  	s23 =	sshra.s32 s24, $0x2  }
0x21: {  	[tilespmem:s23+$0x10D88] =	vst v0  }
0x22: {  	[tilespmem:s23+$0x10D98] =	vst v0  }
0x23: {  	[spmem:s5] =	stream.linear.scatter [tilespmem:s11], [sflag:$0x4], $0x4E20, $0x38;
	[tilespmem:$0x1A9C8] =	vst v63  }
0x24: {  	_ =	swait.ge [sflag:s12], $0x4E20  }
0x25: {  	[sflag:s12] =	ssyncset.done $0x0  }
0x26: {  	[sflag:s12] =	ssyncadd.s32 $0xFFFFB1E0  }
0x27: {  	_ =	swait.ge [sflag:s13], $0x28  }
0x28: {  	s22 =	simm.s32 $0x7C;
	[sflag:s13] =	ssyncset.done $0x0  }
.LBB2_6:
0x29: {  	p0 =	sne.s32 s22, $0x1;
	s22 =	sadd.s32 $0xFFFFFFFF, s22;
	[sflag:s13] =	ssyncadd.s32 $0xFFFFFFD8  }
.Ltmp2:
0x2a: {  	(pc) =	sbr.rel @p0 .LBB2_6-.Ltmp2, $3  }
0x2b: {  	_ =	sdelay $0x1  }
0x2c: {  	_ =	swait.ge [sflag:s13], $0x28  }
0x2d: {  	[sflag:s13] =	ssyncset.done $0x0  }
0x2e: {  	[sflag:s13] =	ssyncadd.s32 $0xFFFFFFD8;
	s22 =	simm.s32 $0x1;
	p0 =	por $0x0, $0x0  }
0x2f: {  	s23 =	simm.s32 $0x0;
	[bflag:$0x0] =	sbarrier.arrive $0xFFFF;
	s22 =	sand.u32 @!p0 $0x1, s22  }
0x30: {  	[tilespmem:s16], [sflag:$0x2] =	stream.strided.gather [hbm4b:s6+s14], $0x7D00, s15, s14, $0x38;
	[tilespmem:$0x1A9C8] =	vst v63  }
0x31: {  	s24 =	sshrl.u32 @!p0 s10, $0x3;
	s25 =	simm.s32 @!p0 $0x20;
	p1 =	seq.s32 @!p0 s22, $0x1  }
0x32: {  	s26 =	simm.s32 @!p0 $0x9088;
	s23 =	sand.u32 $0x1, s23;
	p1 =	por !p1, p0  }
0x33: {  	s28 =	simm.s32 @!p0 $0x80;
	_ =	swait.ge [sflag:s17], $0x7D00;
	s26 =	simm.s32 @p1 $0x1388  }
0x34: {  	[sflag:s17] =	ssyncset.done $0x0;
	s22 =	rddreg [dreg:$0x4];
	p1 =	seq.s32 s23, $0x1  }
0x35: {  	s24 =	sadd.s32 @!p0 s4, s24;
	[sflag:s17] =	ssyncadd.s32 $0xFFFF8300;
	s22 =	simm.s32 @!p1 $0x0  }
0x36: {  	[tilespmem:s26], [sflag:$0x2] =	stream.strided.gather @!p0 [hbm4b:s24+s25], $0x7D00, s28, s25, $0x38;
	[tilespmem:$0x1A9C8] =	vst v63  }
0x37: {  	s0 =	simm.s32 $0x0;
	s3 =	sadd.s32 $0x1388, s22  }
0x38: {  	[spmem:s2] =	stream.indirect.scatter.add.f32 [tilespmem:s3], [sflag:$0x3], $0x20, s0, s18, $0xb8;
	[tilespmem:$0x1A9C8] =	vst v63  }
0x39: {  	s25 =	sadd.s32 $0x1888, s22;
	s26 =	simm.s32 $0x28  }
0x3a: {  	[spmem:s2] =	stream.indirect.scatter.add.f32 [tilespmem:s25], [sflag:$0x3], $0x20, s26, s18, $0xb8;
	[tilespmem:$0x1A9C8] =	vst v63  }
0x3b: {  	s29 =	simm.s32 $0x50;
	s28 =	sadd.s32 $0x1D88, s22  }
0x3c: {  	[spmem:s2] =	stream.indirect.scatter.add.f32 [tilespmem:s28], [sflag:$0x3], $0x20, s29, s18, $0xb8;
	[tilespmem:$0x1A9C8] =	vst v63  }
0x3d: {  	s31 =	simm.s32 $0x78;
	s30 =	sadd.s32 $0x2288, s22  }
0x3e: {  	[spmem:s2] =	stream.indirect.scatter.add.f32 [tilespmem:s30], [sflag:$0x3], $0x20, s31, s18, $0xb8;
	[tilespmem:$0x1A9C8] =	vst v63  }
0x3f: {  	s0 =	sadd.s32 $0x2788, s22;
	s3 =	simm.s32 $0xA0  }
0x40: {  	[spmem:s2] =	stream.indirect.scatter.add.f32 [tilespmem:s0], [sflag:$0x3], $0x20, s3, s18, $0xb8;
	[tilespmem:$0x1A9C8] =	vst v63  }
0x41: {  	s25 =	sadd.s32 $0x2C88, s22;
	s26 =	simm.s32 $0xC8  }
0x42: {  	[spmem:s2] =	stream.indirect.scatter.add.f32 [tilespmem:s25], [sflag:$0x3], $0x20, s26, s18, $0xb8;
	[tilespmem:$0x1A9C8] =	vst v63  }
0x43: {  	s28 =	sadd.s32 $0x3188, s22;
	s29 =	simm.s32 $0xF0  }
0x44: {  	[spmem:s2] =	stream.indirect.scatter.add.f32 [tilespmem:s28], [sflag:$0x3], $0x20, s29, s18, $0xb8;
	[tilespmem:$0x1A9C8] =	vst v63  }
0x45: {  	s30 =	sadd.s32 $0x3688, s22;
	s31 =	simm.s32 $0x118  }
0x46: {  	[spmem:s2] =	stream.indirect.scatter.add.f32 [tilespmem:s30], [sflag:$0x3], $0x20, s31, s18, $0xb8;
	[tilespmem:$0x1A9C8] =	vst v63  }
0x47: {  	s0 =	sadd.s32 $0x3B88, s22;
	s3 =	simm.s32 $0x140  }
0x48: {  	[spmem:s2] =	stream.indirect.scatter.add.f32 [tilespmem:s0], [sflag:$0x3], $0x20, s3, s18, $0xb8;
	[tilespmem:$0x1A9C8] =	vst v63  }
0x49: {  	s25 =	sadd.s32 $0x4088, s22;
	s26 =	simm.s32 $0x168  }
0x4a: {  	[spmem:s2] =	stream.indirect.scatter.add.f32 [tilespmem:s25], [sflag:$0x3], $0x20, s26, s18, $0xb8;
	[tilespmem:$0x1A9C8] =	vst v63  }
0x4b: {  	s28 =	sadd.s32 $0x4588, s22;
	s29 =	simm.s32 $0x190  }
0x4c: {  	[spmem:s2] =	stream.indirect.scatter.add.f32 [tilespmem:s28], [sflag:$0x3], $0x20, s29, s18, $0xb8;
	[tilespmem:$0x1A9C8] =	vst v63  }
0x4d: {  	s30 =	sadd.s32 $0x4A88, s22;
	s31 =	simm.s32 $0x1B8  }
0x4e: {  	[spmem:s2] =	stream.indirect.scatter.add.f32 [tilespmem:s30], [sflag:$0x3], $0x20, s31, s18, $0xb8;
	[tilespmem:$0x1A9C8] =	vst v63  }
0x4f: {  	s0 =	sadd.s32 $0x4F88, s22;
	s3 =	simm.s32 $0x1E0  }
0x50: {  	[spmem:s2] =	stream.indirect.scatter.add.f32 [tilespmem:s0], [sflag:$0x3], $0x20, s3, s18, $0xb8;
	[tilespmem:$0x1A9C8] =	vst v63  }
0x51: {  	s25 =	sadd.s32 $0x5488, s22;
	s26 =	simm.s32 $0x208  }
0x52: {  	[spmem:s2] =	stream.indirect.scatter.add.f32 [tilespmem:s25], [sflag:$0x3], $0x20, s26, s18, $0xb8;
	[tilespmem:$0x1A9C8] =	vst v63  }
0x53: {  	s28 =	sadd.s32 $0x5988, s22;
	s29 =	simm.s32 $0x230  }
0x54: {  	[spmem:s2] =	stream.indirect.scatter.add.f32 [tilespmem:s28], [sflag:$0x3], $0x20, s29, s18, $0xb8;
	[tilespmem:$0x1A9C8] =	vst v63  }
0x55: {  	s30 =	sadd.s32 $0x5E88, s22;
	s31 =	simm.s32 $0x258  }
0x56: {  	[spmem:s2] =	stream.indirect.scatter.add.f32 [tilespmem:s30], [sflag:$0x3], $0x20, s31, s18, $0xb8;
	[tilespmem:$0x1A9C8] =	vst v63  }
0x57: {  	s0 =	sadd.s32 $0x6388, s22;
	s3 =	simm.s32 $0x280  }
0x58: {  	[spmem:s2] =	stream.indirect.scatter.add.f32 [tilespmem:s0], [sflag:$0x3], $0x20, s3, s18, $0xb8;
	[tilespmem:$0x1A9C8] =	vst v63  }
0x59: {  	s25 =	sadd.s32 $0x6888, s22;
	s26 =	simm.s32 $0x2A8  }
0x5a: {  	[spmem:s2] =	stream.indirect.scatter.add.f32 [tilespmem:s25], [sflag:$0x3], $0x20, s26, s18, $0xb8;
	[tilespmem:$0x1A9C8] =	vst v63  }
0x5b: {  	s28 =	sadd.s32 $0x6D88, s22;
	s29 =	simm.s32 $0x2D0  }
0x5c: {  	[spmem:s2] =	stream.indirect.scatter.add.f32 [tilespmem:s28], [sflag:$0x3], $0x20, s29, s18, $0xb8;
	[tilespmem:$0x1A9C8] =	vst v63  }
0x5d: {  	s30 =	sadd.s32 $0x7288, s22;
	s31 =	simm.s32 $0x2F8  }
0x5e: {  	[spmem:s2] =	stream.indirect.scatter.add.f32 [tilespmem:s30], [sflag:$0x3], $0x20, s31, s18, $0xb8;
	[tilespmem:$0x1A9C8] =	vst v63  }
0x5f: {  	s0 =	sadd.s32 $0x7788, s22;
	s3 =	simm.s32 $0x320  }
0x60: {  	[spmem:s2] =	stream.indirect.scatter.add.f32 [tilespmem:s0], [sflag:$0x3], $0x20, s3, s18, $0xb8;
	[tilespmem:$0x1A9C8] =	vst v63  }
0x61: {  	s24 =	sadd.s32 $0x7C88, s22;
	s25 =	simm.s32 $0x348  }
0x62: {  	[spmem:s2] =	stream.indirect.scatter.add.f32 [tilespmem:s24], [sflag:$0x3], $0x20, s25, s18, $0xb8;
	[tilespmem:$0x1A9C8] =	vst v63  }
0x63: {  	s26 =	sadd.s32 $0x8188, s22;
	s28 =	simm.s32 $0x370  }
0x64: {  	[spmem:s2] =	stream.indirect.scatter.add.f32 [tilespmem:s26], [sflag:$0x3], $0x20, s28, s18, $0xb8;
	[tilespmem:$0x1A9C8] =	vst v63  }
0x65: {  	s29 =	sadd.s32 $0x8688, s22;
	s30 =	simm.s32 $0x398  }
0x66: {  	[spmem:s2] =	stream.indirect.scatter.add.f32 [tilespmem:s29], [sflag:$0x3], $0x20, s30, s18, $0xb8;
	[tilespmem:$0x1A9C8] =	vst v63  }
0x67: {  	s22 =	sadd.s32 $0x8B88, s22;
	s31 =	simm.s32 $0x3C0  }
0x68: {  	[spmem:s2] =	stream.indirect.scatter.add.f32 [tilespmem:s22], [sflag:$0x3], $0x20, s31, s18, $0xb8;
	[tilespmem:$0x1A9C8] =	vst v63  }
0x69: {  	_ =	swait.ge [sflag:s19], $0x500  }
0x6a: {  	[sflag:s19] =	ssyncset.done $0x0  }
0x6b: {  	[sflag:s19] =	ssyncadd.s32 $0xFFFFFB00  }
0x6c: {  	_ =	swait.ge [sflag:s19], $0x500  }
0x6d: {  	[sflag:s19] =	ssyncset.done $0x0  }
0x6e: {  	[sflag:s19] =	ssyncadd.s32 $0xFFFFFB00  }
0x6f: {  	_ =	swait.ge [sflag:s19], $0x500  }
0x70: {  	[sflag:s19] =	ssyncset.done $0x0  }
0x71: {  	[sflag:s19] =	ssyncadd.s32 $0xFFFFFB00  }
0x72: {  	_ =	swait.ge [sflag:s19], $0x500  }
0x73: {  	[sflag:s19] =	ssyncset.done $0x0  }
0x74: {  	[sflag:s19] =	ssyncadd.s32 $0xFFFFFB00  }
0x75: {  	_ =	swait.ge [sflag:s19], $0x500  }
0x76: {  	[sflag:s19] =	ssyncset.done $0x0  }
0x77: {  	[sflag:s19] =	ssyncadd.s32 $0xFFFFFB00  }
0x78: {  	_ =	swait.ge [sflag:s19], $0x500  }
0x79: {  	[sflag:s19] =	ssyncset.done $0x0  }
0x7a: {  	[sflag:s19] =	ssyncadd.s32 $0xFFFFFB00  }
0x7b: {  	_ =	swait.ge [sflag:s19], $0x500  }
0x7c: {  	[sflag:s19] =	ssyncset.done $0x0  }
0x7d: {  	[sflag:s19] =	ssyncadd.s32 $0xFFFFFB00  }
0x7e: {  	_ =	swait.ge [sflag:s19], $0x500  }
0x7f: {  	[sflag:s19] =	ssyncset.done $0x0  }
0x80: {  	[sflag:s19] =	ssyncadd.s32 $0xFFFFFB00  }
0x81: {  	_ =	swait.ge [sflag:s19], $0x500  }
0x82: {  	[sflag:s19] =	ssyncset.done $0x0  }
0x83: {  	[sflag:s19] =	ssyncadd.s32 $0xFFFFFB00  }
0x84: {  	_ =	swait.ge [sflag:s19], $0x500  }
0x85: {  	[sflag:s19] =	ssyncset.done $0x0  }
0x86: {  	[sflag:s19] =	ssyncadd.s32 $0xFFFFFB00  }
0x87: {  	_ =	swait.ge [sflag:s19], $0x500  }
0x88: {  	[sflag:s19] =	ssyncset.done $0x0  }
0x89: {  	[sflag:s19] =	ssyncadd.s32 $0xFFFFFB00  }
0x8a: {  	_ =	swait.ge [sflag:s19], $0x500  }
0x8b: {  	[sflag:s19] =	ssyncset.done $0x0  }
0x8c: {  	[sflag:s19] =	ssyncadd.s32 $0xFFFFFB00  }
0x8d: {  	_ =	swait.ge [sflag:s19], $0x500  }
0x8e: {  	[sflag:s19] =	ssyncset.done $0x0  }
0x8f: {  	[sflag:s19] =	ssyncadd.s32 $0xFFFFFB00  }
0x90: {  	_ =	swait.ge [sflag:s19], $0x500  }
0x91: {  	[sflag:s19] =	ssyncset.done $0x0  }
0x92: {  	[sflag:s19] =	ssyncadd.s32 $0xFFFFFB00  }
0x93: {  	_ =	swait.ge [sflag:s19], $0x500  }
0x94: {  	[sflag:s19] =	ssyncset.done $0x0  }
0x95: {  	[sflag:s19] =	ssyncadd.s32 $0xFFFFFB00  }
0x96: {  	_ =	swait.ge [sflag:s19], $0x500  }
0x97: {  	[sflag:s19] =	ssyncset.done $0x0  }
0x98: {  	[sflag:s19] =	ssyncadd.s32 $0xFFFFFB00  }
0x99: {  	_ =	swait.ge [sflag:s19], $0x500  }
0x9a: {  	[sflag:s19] =	ssyncset.done $0x0  }
0x9b: {  	[sflag:s19] =	ssyncadd.s32 $0xFFFFFB00  }
0x9c: {  	_ =	swait.ge [sflag:s19], $0x500  }
0x9d: {  	[sflag:s19] =	ssyncset.done $0x0  }
0x9e: {  	[sflag:s19] =	ssyncadd.s32 $0xFFFFFB00  }
0x9f: {  	_ =	swait.ge [sflag:s19], $0x500  }
0xa0: {  	[sflag:s19] =	ssyncset.done $0x0  }
0xa1: {  	[sflag:s19] =	ssyncadd.s32 $0xFFFFFB00  }
0xa2: {  	_ =	swait.ge [sflag:s19], $0x500  }
0xa3: {  	[sflag:s19] =	ssyncset.done $0x0  }
0xa4: {  	[sflag:s19] =	ssyncadd.s32 $0xFFFFFB00  }
0xa5: {  	_ =	swait.ge [sflag:s19], $0x500  }
0xa6: {  	[sflag:s19] =	ssyncset.done $0x0  }
0xa7: {  	[sflag:s19] =	ssyncadd.s32 $0xFFFFFB00  }
0xa8: {  	_ =	swait.ge [sflag:s19], $0x500  }
0xa9: {  	[sflag:s19] =	ssyncset.done $0x0  }
0xaa: {  	[sflag:s19] =	ssyncadd.s32 $0xFFFFFB00  }
0xab: {  	_ =	swait.ge [sflag:s19], $0x500  }
0xac: {  	[sflag:s19] =	ssyncset.done $0x0  }
0xad: {  	[sflag:s19] =	ssyncadd.s32 $0xFFFFFB00  }
0xae: {  	s23 =	simm.s32 $0x2;
	s25 =	simm.s32 $0x1F40;
	_ =	swait.ge [sflag:s19], $0x500  }
0xaf: {  	s24 =	sadd.s32 $0x1F400, s10;
	s22 =	simm.s32 $0xFA0;
	[sflag:s19] =	ssyncset.done $0x0  }
.LBB2_8:
0xb0: {  	p0 =	seq.s32 s22, $0x3E80  }
0xb1: {  	s26 =	sadd.s32 $0xFFFFFFFF, s23;
	[sflag:s19] =	ssyncadd.s32 $0xFFFFFB00;
	s28 =	sand.u32 @!p0 $0x1, s23  }
0xb2: {  	s30 =	sshrl.u32 @!p0 s24, $0x3;
	_ =	swait.ge [sflag:s19], $0x500;
	s31 =	simm.s32 @!p0 $0x9088  }
0xb3: {  	s0 =	sand.u32 $0x1, s26;
	p1 =	seq.s32 @!p0 s28, $0x1;
	[sflag:s19] =	ssyncset.done $0x0  }
0xb4: {  	s3 =	simm.s32 @!p0 $0x80;
	p1 =	por !p1, p0;
	[sflag:s19] =	ssyncadd.s32 $0xFFFFFB00  }
0xb5: {  	s28 =	simm.s32 @!p0 $0x20;
	_ =	swait.ge [sflag:s17], $0x7D00;
	s31 =	simm.s32 @p1 $0x1388  }
0xb6: {  	p1 =	seq.s32 s0, $0x1;
	[sflag:s17] =	ssyncset.done $0x0;
	s26 =	rddreg [dreg:$0x4]  }
0xb7: {  	s30 =	sadd.s32 @!p0 s4, s30;
	[sflag:s17] =	ssyncadd.s32 $0xFFFF8300;
	s26 =	simm.s32 @!p1 $0x0  }
0xb8: {  	[tilespmem:s31], [sflag:$0x2] =	stream.strided.gather @!p0 [hbm4b:s30+s28], $0x7D00, s3, s28, $0x38;
	[tilespmem:$0x1A9C8] =	vst v63  }
0xb9: {  	s28 =	sshra.s32 s22, $0x2;
	s30 =	sadd.s32 $0x1388, s26  }
0xba: {  	[spmem:s2] =	stream.indirect.scatter.add.f32 [tilespmem:s30], [sflag:$0x3], $0x20, s28, s18, $0xb8;
	[tilespmem:$0x1A9C8] =	vst v63  }
0xbb: {  	s31 =	sadd.s32 $0x1888, s26;
	s22 =	sadd.s32 $0x28, s28  }
0xbc: {  	[spmem:s2] =	stream.indirect.scatter.add.f32 [tilespmem:s31], [sflag:$0x3], $0x20, s22, s18, $0xb8;
	[tilespmem:$0x1A9C8] =	vst v63  }
0xbd: {  	s0 =	sadd.s32 $0x1D88, s26;
	s30 =	sadd.s32 $0x50, s28  }
0xbe: {  	[spmem:s2] =	stream.indirect.scatter.add.f32 [tilespmem:s0], [sflag:$0x3], $0x20, s30, s18, $0xb8;
	[tilespmem:$0x1A9C8] =	vst v63  }
0xbf: {  	s29 =	smov.u32 s25;
	s3 =	sadd.s32 $0x2288, s26;
	s31 =	sadd.s32 $0x78, s28  }
0xc0: {  	[spmem:s2] =	stream.indirect.scatter.add.f32 [tilespmem:s3], [sflag:$0x3], $0x20, s31, s18, $0xb8;
	[tilespmem:$0x1A9C8] =	vst v63  }
0xc1: {  	s22 =	smov.u32 s29;
	s29 =	sadd.s32 $0xA0, s28;
	s0 =	sadd.s32 $0x2788, s26  }
0xc2: {  	[spmem:s2] =	stream.indirect.scatter.add.f32 [tilespmem:s0], [sflag:$0x3], $0x20, s29, s18, $0xb8;
	[tilespmem:$0x1A9C8] =	vst v63  }
0xc3: {  	s30 =	sadd.s32 $0xC8, s28;
	s3 =	sadd.s32 $0x2C88, s26  }
0xc4: {  	[spmem:s2] =	stream.indirect.scatter.add.f32 [tilespmem:s3], [sflag:$0x3], $0x20, s30, s18, $0xb8;
	[tilespmem:$0x1A9C8] =	vst v63  }
0xc5: {  	s31 =	sadd.s32 $0xF0, s28;
	s0 =	sadd.s32 $0x3188, s26  }
0xc6: {  	[spmem:s2] =	stream.indirect.scatter.add.f32 [tilespmem:s0], [sflag:$0x3], $0x20, s31, s18, $0xb8;
	[tilespmem:$0x1A9C8] =	vst v63  }
0xc7: {  	s3 =	sadd.s32 $0x3688, s26;
	s30 =	sadd.s32 $0x118, s28  }
0xc8: {  	[spmem:s2] =	stream.indirect.scatter.add.f32 [tilespmem:s3], [sflag:$0x3], $0x20, s30, s18, $0xb8;
	[tilespmem:$0x1A9C8] =	vst v63  }
0xc9: {  	s0 =	sadd.s32 $0x3B88, s26;
	s31 =	sadd.s32 $0x140, s28  }
0xca: {  	[spmem:s2] =	stream.indirect.scatter.add.f32 [tilespmem:s0], [sflag:$0x3], $0x20, s31, s18, $0xb8;
	[tilespmem:$0x1A9C8] =	vst v63  }
0xcb: {  	s3 =	sadd.s32 $0x4088, s26;
	s30 =	sadd.s32 $0x168, s28  }
0xcc: {  	[spmem:s2] =	stream.indirect.scatter.add.f32 [tilespmem:s3], [sflag:$0x3], $0x20, s30, s18, $0xb8;
	[tilespmem:$0x1A9C8] =	vst v63  }
0xcd: {  	s0 =	sadd.s32 $0x4588, s26;
	s31 =	sadd.s32 $0x190, s28  }
0xce: {  	[spmem:s2] =	stream.indirect.scatter.add.f32 [tilespmem:s0], [sflag:$0x3], $0x20, s31, s18, $0xb8;
	[tilespmem:$0x1A9C8] =	vst v63  }
0xcf: {  	s3 =	sadd.s32 $0x4A88, s26;
	s30 =	sadd.s32 $0x1B8, s28  }
0xd0: {  	[spmem:s2] =	stream.indirect.scatter.add.f32 [tilespmem:s3], [sflag:$0x3], $0x20, s30, s18, $0xb8;
	[tilespmem:$0x1A9C8] =	vst v63  }
0xd1: {  	s0 =	sadd.s32 $0x4F88, s26;
	s31 =	sadd.s32 $0x1E0, s28  }
0xd2: {  	[spmem:s2] =	stream.indirect.scatter.add.f32 [tilespmem:s0], [sflag:$0x3], $0x20, s31, s18, $0xb8;
	[tilespmem:$0x1A9C8] =	vst v63  }
0xd3: {  	s3 =	sadd.s32 $0x5488, s26;
	s30 =	sadd.s32 $0x208, s28  }
0xd4: {  	[spmem:s2] =	stream.indirect.scatter.add.f32 [tilespmem:s3], [sflag:$0x3], $0x20, s30, s18, $0xb8;
	[tilespmem:$0x1A9C8] =	vst v63  }
0xd5: {  	s0 =	sadd.s32 $0x5988, s26;
	s31 =	sadd.s32 $0x230, s28  }
0xd6: {  	[spmem:s2] =	stream.indirect.scatter.add.f32 [tilespmem:s0], [sflag:$0x3], $0x20, s31, s18, $0xb8;
	[tilespmem:$0x1A9C8] =	vst v63  }
0xd7: {  	s3 =	sadd.s32 $0x5E88, s26;
	s30 =	sadd.s32 $0x258, s28  }
0xd8: {  	[spmem:s2] =	stream.indirect.scatter.add.f32 [tilespmem:s3], [sflag:$0x3], $0x20, s30, s18, $0xb8;
	[tilespmem:$0x1A9C8] =	vst v63  }
0xd9: {  	s0 =	sadd.s32 $0x6388, s26;
	s31 =	sadd.s32 $0x280, s28  }
0xda: {  	[spmem:s2] =	stream.indirect.scatter.add.f32 [tilespmem:s0], [sflag:$0x3], $0x20, s31, s18, $0xb8;
	[tilespmem:$0x1A9C8] =	vst v63  }
0xdb: {  	s3 =	sadd.s32 $0x6888, s26;
	s30 =	sadd.s32 $0x2A8, s28  }
0xdc: {  	[spmem:s2] =	stream.indirect.scatter.add.f32 [tilespmem:s3], [sflag:$0x3], $0x20, s30, s18, $0xb8;
	[tilespmem:$0x1A9C8] =	vst v63  }
0xdd: {  	s0 =	sadd.s32 $0x6D88, s26;
	s31 =	sadd.s32 $0x2D0, s28  }
0xde: {  	[spmem:s2] =	stream.indirect.scatter.add.f32 [tilespmem:s0], [sflag:$0x3], $0x20, s31, s18, $0xb8;
	[tilespmem:$0x1A9C8] =	vst v63  }
0xdf: {  	s3 =	sadd.s32 $0x7288, s26;
	s30 =	sadd.s32 $0x2F8, s28  }
0xe0: {  	[spmem:s2] =	stream.indirect.scatter.add.f32 [tilespmem:s3], [sflag:$0x3], $0x20, s30, s18, $0xb8;
	[tilespmem:$0x1A9C8] =	vst v63  }
0xe1: {  	s0 =	sadd.s32 $0x7788, s26;
	s31 =	sadd.s32 $0x320, s28  }
0xe2: {  	[spmem:s2] =	stream.indirect.scatter.add.f32 [tilespmem:s0], [sflag:$0x3], $0x20, s31, s18, $0xb8;
	[tilespmem:$0x1A9C8] =	vst v63  }
0xe3: {  	s3 =	sadd.s32 $0x7C88, s26;
	s30 =	sadd.s32 $0x348, s28  }
0xe4: {  	[spmem:s2] =	stream.indirect.scatter.add.f32 [tilespmem:s3], [sflag:$0x3], $0x20, s30, s18, $0xb8;
	[tilespmem:$0x1A9C8] =	vst v63  }
0xe5: {  	s0 =	sadd.s32 $0x8188, s26;
	s31 =	sadd.s32 $0x370, s28  }
0xe6: {  	[spmem:s2] =	stream.indirect.scatter.add.f32 [tilespmem:s0], [sflag:$0x3], $0x20, s31, s18, $0xb8;
	[tilespmem:$0x1A9C8] =	vst v63  }
0xe7: {  	s3 =	sadd.s32 $0x8688, s26;
	s30 =	sadd.s32 $0x398, s28  }
0xe8: {  	[spmem:s2] =	stream.indirect.scatter.add.f32 [tilespmem:s3], [sflag:$0x3], $0x20, s30, s18, $0xb8;
	[tilespmem:$0x1A9C8] =	vst v63  }
0xe9: {  	s29 =	sadd.s32 $0x8B88, s26;
	s31 =	sadd.s32 $0x3C0, s28  }
0xea: {  	[spmem:s2] =	stream.indirect.scatter.add.f32 [tilespmem:s29], [sflag:$0x3], $0x20, s31, s18, $0xb8;
	[tilespmem:$0x1A9C8] =	vst v63  }
0xeb: {  	_ =	swait.ge [sflag:s19], $0x500  }
0xec: {  	[sflag:s19] =	ssyncset.done $0x0  }
0xed: {  	[sflag:s19] =	ssyncadd.s32 $0xFFFFFB00  }
0xee: {  	_ =	swait.ge [sflag:s19], $0x500  }
0xef: {  	[sflag:s19] =	ssyncset.done $0x0  }
0xf0: {  	[sflag:s19] =	ssyncadd.s32 $0xFFFFFB00  }
0xf1: {  	_ =	swait.ge [sflag:s19], $0x500  }
0xf2: {  	[sflag:s19] =	ssyncset.done $0x0  }
0xf3: {  	[sflag:s19] =	ssyncadd.s32 $0xFFFFFB00  }
0xf4: {  	_ =	swait.ge [sflag:s19], $0x500  }
0xf5: {  	[sflag:s19] =	ssyncset.done $0x0  }
0xf6: {  	[sflag:s19] =	ssyncadd.s32 $0xFFFFFB00  }
0xf7: {  	_ =	swait.ge [sflag:s19], $0x500  }
0xf8: {  	[sflag:s19] =	ssyncset.done $0x0  }
0xf9: {  	[sflag:s19] =	ssyncadd.s32 $0xFFFFFB00  }
0xfa: {  	_ =	swait.ge [sflag:s19], $0x500  }
0xfb: {  	[sflag:s19] =	ssyncset.done $0x0  }
0xfc: {  	[sflag:s19] =	ssyncadd.s32 $0xFFFFFB00  }
0xfd: {  	_ =	swait.ge [sflag:s19], $0x500  }
0xfe: {  	[sflag:s19] =	ssyncset.done $0x0  }
0xff: {  	[sflag:s19] =	ssyncadd.s32 $0xFFFFFB00  }
0x100: {  	_ =	swait.ge [sflag:s19], $0x500  }
0x101: {  	[sflag:s19] =	ssyncset.done $0x0  }
0x102: {  	[sflag:s19] =	ssyncadd.s32 $0xFFFFFB00  }
0x103: {  	_ =	swait.ge [sflag:s19], $0x500  }
0x104: {  	[sflag:s19] =	ssyncset.done $0x0  }
0x105: {  	[sflag:s19] =	ssyncadd.s32 $0xFFFFFB00  }
0x106: {  	_ =	swait.ge [sflag:s19], $0x500  }
0x107: {  	[sflag:s19] =	ssyncset.done $0x0  }
0x108: {  	[sflag:s19] =	ssyncadd.s32 $0xFFFFFB00  }
0x109: {  	_ =	swait.ge [sflag:s19], $0x500  }
0x10a: {  	[sflag:s19] =	ssyncset.done $0x0  }
0x10b: {  	[sflag:s19] =	ssyncadd.s32 $0xFFFFFB00  }
0x10c: {  	_ =	swait.ge [sflag:s19], $0x500  }
0x10d: {  	[sflag:s19] =	ssyncset.done $0x0  }
0x10e: {  	[sflag:s19] =	ssyncadd.s32 $0xFFFFFB00  }
0x10f: {  	_ =	swait.ge [sflag:s19], $0x500  }
0x110: {  	[sflag:s19] =	ssyncset.done $0x0  }
0x111: {  	[sflag:s19] =	ssyncadd.s32 $0xFFFFFB00  }
0x112: {  	_ =	swait.ge [sflag:s19], $0x500  }
0x113: {  	[sflag:s19] =	ssyncset.done $0x0  }
0x114: {  	[sflag:s19] =	ssyncadd.s32 $0xFFFFFB00  }
0x115: {  	_ =	swait.ge [sflag:s19], $0x500  }
0x116: {  	[sflag:s19] =	ssyncset.done $0x0  }
0x117: {  	[sflag:s19] =	ssyncadd.s32 $0xFFFFFB00  }
0x118: {  	_ =	swait.ge [sflag:s19], $0x500  }
0x119: {  	[sflag:s19] =	ssyncset.done $0x0  }
0x11a: {  	[sflag:s19] =	ssyncadd.s32 $0xFFFFFB00  }
0x11b: {  	_ =	swait.ge [sflag:s19], $0x500  }
0x11c: {  	[sflag:s19] =	ssyncset.done $0x0  }
0x11d: {  	[sflag:s19] =	ssyncadd.s32 $0xFFFFFB00  }
0x11e: {  	_ =	swait.ge [sflag:s19], $0x500  }
0x11f: {  	[sflag:s19] =	ssyncset.done $0x0  }
0x120: {  	[sflag:s19] =	ssyncadd.s32 $0xFFFFFB00  }
0x121: {  	_ =	swait.ge [sflag:s19], $0x500  }
0x122: {  	[sflag:s19] =	ssyncset.done $0x0  }
0x123: {  	[sflag:s19] =	ssyncadd.s32 $0xFFFFFB00  }
0x124: {  	_ =	swait.ge [sflag:s19], $0x500  }
0x125: {  	[sflag:s19] =	ssyncset.done $0x0  }
0x126: {  	[sflag:s19] =	ssyncadd.s32 $0xFFFFFB00  }
0x127: {  	_ =	swait.ge [sflag:s19], $0x500  }
0x128: {  	[sflag:s19] =	ssyncset.done $0x0  }
0x129: {  	[sflag:s19] =	ssyncadd.s32 $0xFFFFFB00  }
0x12a: {  	_ =	swait.ge [sflag:s19], $0x500  }
0x12b: {  	s25 =	sadd.s32 $0xFA0, s25;
	[sflag:s19] =	ssyncset.done $0x0  }
0x12c: {  	p0 =	sne.s32 s25, $0x4E20;
	[sflag:s19] =	ssyncadd.s32 $0xFFFFFB00  }
.Ltmp3:
0x12d: {  	_ =	swait.ge [sflag:s19], $0x500;
	(pc) =	sbr.rel @p0 .LBB2_8-.Ltmp3, $4  }
0x12e: {  	[sflag:s19] =	ssyncset.done $0x0  }
0x12f: {  	[sflag:s19] =	ssyncadd.s32 $0xFFFFFB00  }
0x130: {  	_ =	swait.ge [sflag:s19], $0x500  }
0x131: {  	s23 =	sadd.s32 $0x1, s23;
	s24 =	sadd.s32 $0x1F400, s24;
	[sflag:s19] =	ssyncset.done $0x0  }
0x132: {  	p0 =	seq.s32 s22, $0x3E80  }
0x133: {  	s0 =	sadd.s32 $0xFFFFFFFF, s23;
	[sflag:s19] =	ssyncadd.s32 $0xFFFFFB00;
	s3 =	sand.u32 @!p0 $0x1, s23  }
0x134: {  	s23 =	sshrl.u32 @!p0 s24, $0x3;
	_ =	swait.ge [sflag:s19], $0x500;
	s24 =	simm.s32 @!p0 $0x9088  }
0x135: {  	s0 =	sand.u32 $0x1, s0;
	p1 =	seq.s32 @!p0 s3, $0x1;
	[sflag:s19] =	ssyncset.done $0x0  }
0x136: {  	s26 =	simm.s32 @!p0 $0x80;
	p1 =	por !p1, p0;
	[sflag:s19] =	ssyncadd.s32 $0xFFFFFB00  }
0x137: {  	s25 =	sadd.s32 @!p0 s4, s23;
	_ =	swait.ge [sflag:s17], $0x7D00;
	s24 =	simm.s32 @p1 $0x1388  }
0x138: {  	p1 =	seq.s32 s0, $0x1;
	[sflag:s17] =	ssyncset.done $0x0;
	s23 =	rddreg [dreg:$0x4]  }
0x139: {  	s3 =	simm.s32 @!p0 $0x20;
	[sflag:s17] =	ssyncadd.s32 $0xFFFF8300;
	s23 =	simm.s32 @!p1 $0x0  }
0x13a: {  	[tilespmem:s24], [sflag:$0x2] =	stream.strided.gather @!p0 [hbm4b:s25+s3], $0x7D00, s26, s3, $0x38;
	[tilespmem:$0x1A9C8] =	vst v63  }
0x13b: {  	s22 =	sshra.s32 s22, $0x2;
	s29 =	sadd.s32 $0x1388, s23  }
0x13c: {  	[spmem:s2] =	stream.indirect.scatter.add.f32 [tilespmem:s29], [sflag:$0x3], $0x20, s22, s18, $0xb8;
	[tilespmem:$0x1A9C8] =	vst v63  }
0x13d: {  	s31 =	sadd.s32 $0x28, s22;
	s30 =	sadd.s32 $0x1888, s23  }
0x13e: {  	[spmem:s2] =	stream.indirect.scatter.add.f32 [tilespmem:s30], [sflag:$0x3], $0x20, s31, s18, $0xb8;
	[tilespmem:$0x1A9C8] =	vst v63  }
0x13f: {  	s3 =	sadd.s32 $0x1D88, s23;
	s24 =	sadd.s32 $0x50, s22  }
0x140: {  	[spmem:s2] =	stream.indirect.scatter.add.f32 [tilespmem:s3], [sflag:$0x3], $0x20, s24, s18, $0xb8;
	[tilespmem:$0x1A9C8] =	vst v63  }
0x141: {  	s25 =	sadd.s32 $0x2288, s23;
	s26 =	sadd.s32 $0x78, s22  }
0x142: {  	[spmem:s2] =	stream.indirect.scatter.add.f32 [tilespmem:s25], [sflag:$0x3], $0x20, s26, s18, $0xb8;
	[tilespmem:$0x1A9C8] =	vst v63  }
0x143: {  	s28 =	sadd.s32 $0x2788, s23;
	s29 =	sadd.s32 $0xA0, s22  }
0x144: {  	[spmem:s2] =	stream.indirect.scatter.add.f32 [tilespmem:s28], [sflag:$0x3], $0x20, s29, s18, $0xb8;
	[tilespmem:$0x1A9C8] =	vst v63  }
0x145: {  	s30 =	sadd.s32 $0x2C88, s23;
	s31 =	sadd.s32 $0xC8, s22  }
0x146: {  	[spmem:s2] =	stream.indirect.scatter.add.f32 [tilespmem:s30], [sflag:$0x3], $0x20, s31, s18, $0xb8;
	[tilespmem:$0x1A9C8] =	vst v63  }
0x147: {  	s3 =	sadd.s32 $0x3188, s23;
	s24 =	sadd.s32 $0xF0, s22  }
0x148: {  	[spmem:s2] =	stream.indirect.scatter.add.f32 [tilespmem:s3], [sflag:$0x3], $0x20, s24, s18, $0xb8;
	[tilespmem:$0x1A9C8] =	vst v63  }
0x149: {  	s25 =	sadd.s32 $0x3688, s23;
	s26 =	sadd.s32 $0x118, s22  }
0x14a: {  	[spmem:s2] =	stream.indirect.scatter.add.f32 [tilespmem:s25], [sflag:$0x3], $0x20, s26, s18, $0xb8;
	[tilespmem:$0x1A9C8] =	vst v63  }
0x14b: {  	s28 =	sadd.s32 $0x3B88, s23;
	s29 =	sadd.s32 $0x140, s22  }
0x14c: {  	[spmem:s2] =	stream.indirect.scatter.add.f32 [tilespmem:s28], [sflag:$0x3], $0x20, s29, s18, $0xb8;
	[tilespmem:$0x1A9C8] =	vst v63  }
0x14d: {  	s30 =	sadd.s32 $0x4088, s23;
	s31 =	sadd.s32 $0x168, s22  }
0x14e: {  	[spmem:s2] =	stream.indirect.scatter.add.f32 [tilespmem:s30], [sflag:$0x3], $0x20, s31, s18, $0xb8;
	[tilespmem:$0x1A9C8] =	vst v63  }
0x14f: {  	s3 =	sadd.s32 $0x4588, s23;
	s24 =	sadd.s32 $0x190, s22  }
0x150: {  	[spmem:s2] =	stream.indirect.scatter.add.f32 [tilespmem:s3], [sflag:$0x3], $0x20, s24, s18, $0xb8;
	[tilespmem:$0x1A9C8] =	vst v63  }
0x151: {  	s25 =	sadd.s32 $0x4A88, s23;
	s26 =	sadd.s32 $0x1B8, s22  }
0x152: {  	[spmem:s2] =	stream.indirect.scatter.add.f32 [tilespmem:s25], [sflag:$0x3], $0x20, s26, s18, $0xb8;
	[tilespmem:$0x1A9C8] =	vst v63  }
0x153: {  	s28 =	sadd.s32 $0x4F88, s23;
	s29 =	sadd.s32 $0x1E0, s22  }
0x154: {  	[spmem:s2] =	stream.indirect.scatter.add.f32 [tilespmem:s28], [sflag:$0x3], $0x20, s29, s18, $0xb8;
	[tilespmem:$0x1A9C8] =	vst v63  }
0x155: {  	s30 =	sadd.s32 $0x5488, s23;
	s31 =	sadd.s32 $0x208, s22  }
0x156: {  	[spmem:s2] =	stream.indirect.scatter.add.f32 [tilespmem:s30], [sflag:$0x3], $0x20, s31, s18, $0xb8;
	[tilespmem:$0x1A9C8] =	vst v63  }
0x157: {  	s3 =	sadd.s32 $0x5988, s23;
	s24 =	sadd.s32 $0x230, s22  }
0x158: {  	[spmem:s2] =	stream.indirect.scatter.add.f32 [tilespmem:s3], [sflag:$0x3], $0x20, s24, s18, $0xb8;
	[tilespmem:$0x1A9C8] =	vst v63  }
0x159: {  	s25 =	sadd.s32 $0x5E88, s23;
	s26 =	sadd.s32 $0x258, s22  }
0x15a: {  	[spmem:s2] =	stream.indirect.scatter.add.f32 [tilespmem:s25], [sflag:$0x3], $0x20, s26, s18, $0xb8;
	[tilespmem:$0x1A9C8] =	vst v63  }
0x15b: {  	s28 =	sadd.s32 $0x6388, s23;
	s29 =	sadd.s32 $0x280, s22  }
0x15c: {  	[spmem:s2] =	stream.indirect.scatter.add.f32 [tilespmem:s28], [sflag:$0x3], $0x20, s29, s18, $0xb8;
	[tilespmem:$0x1A9C8] =	vst v63  }
0x15d: {  	s30 =	sadd.s32 $0x6888, s23;
	s31 =	sadd.s32 $0x2A8, s22  }
0x15e: {  	[spmem:s2] =	stream.indirect.scatter.add.f32 [tilespmem:s30], [sflag:$0x3], $0x20, s31, s18, $0xb8;
	[tilespmem:$0x1A9C8] =	vst v63  }
0x15f: {  	s3 =	sadd.s32 $0x6D88, s23;
	s24 =	sadd.s32 $0x2D0, s22  }
0x160: {  	[spmem:s2] =	stream.indirect.scatter.add.f32 [tilespmem:s3], [sflag:$0x3], $0x20, s24, s18, $0xb8;
	[tilespmem:$0x1A9C8] =	vst v63  }
0x161: {  	s25 =	sadd.s32 $0x7288, s23;
	s26 =	sadd.s32 $0x2F8, s22  }
0x162: {  	[spmem:s2] =	stream.indirect.scatter.add.f32 [tilespmem:s25], [sflag:$0x3], $0x20, s26, s18, $0xb8;
	[tilespmem:$0x1A9C8] =	vst v63  }
0x163: {  	s28 =	sadd.s32 $0x7788, s23;
	s29 =	sadd.s32 $0x320, s22  }
0x164: {  	[spmem:s2] =	stream.indirect.scatter.add.f32 [tilespmem:s28], [sflag:$0x3], $0x20, s29, s18, $0xb8;
	[tilespmem:$0x1A9C8] =	vst v63  }
0x165: {  	s30 =	sadd.s32 $0x7C88, s23;
	s31 =	sadd.s32 $0x348, s22  }
0x166: {  	[spmem:s2] =	stream.indirect.scatter.add.f32 [tilespmem:s30], [sflag:$0x3], $0x20, s31, s18, $0xb8;
	[tilespmem:$0x1A9C8] =	vst v63  }
0x167: {  	s3 =	sadd.s32 $0x8188, s23;
	s24 =	sadd.s32 $0x370, s22  }
0x168: {  	[spmem:s2] =	stream.indirect.scatter.add.f32 [tilespmem:s3], [sflag:$0x3], $0x20, s24, s18, $0xb8;
	[tilespmem:$0x1A9C8] =	vst v63  }
0x169: {  	s25 =	sadd.s32 $0x8688, s23;
	s26 =	sadd.s32 $0x398, s22  }
0x16a: {  	[spmem:s2] =	stream.indirect.scatter.add.f32 [tilespmem:s25], [sflag:$0x3], $0x20, s26, s18, $0xb8;
	[tilespmem:$0x1A9C8] =	vst v63  }
0x16b: {  	s28 =	sadd.s32 $0x8B88, s23;
	s29 =	sadd.s32 $0x3C0, s22  }
0x16c: {  	[spmem:s2] =	stream.indirect.scatter.add.f32 [tilespmem:s28], [sflag:$0x3], $0x20, s29, s18, $0xb8;
	[tilespmem:$0x1A9C8] =	vst v63  }
0x16d: {  	_ =	swait.ge [sflag:s19], $0x500  }
0x16e: {  	[sflag:s19] =	ssyncset.done $0x0  }
0x16f: {  	[sflag:s19] =	ssyncadd.s32 $0xFFFFFB00  }
0x170: {  	_ =	swait.ge [sflag:s19], $0x500  }
0x171: {  	[sflag:s19] =	ssyncset.done $0x0  }
0x172: {  	[sflag:s19] =	ssyncadd.s32 $0xFFFFFB00  }
0x173: {  	_ =	swait.ge [sflag:s19], $0x500  }
0x174: {  	[sflag:s19] =	ssyncset.done $0x0  }
0x175: {  	[sflag:s19] =	ssyncadd.s32 $0xFFFFFB00  }
0x176: {  	_ =	swait.ge [sflag:s19], $0x500  }
0x177: {  	[sflag:s19] =	ssyncset.done $0x0  }
0x178: {  	[sflag:s19] =	ssyncadd.s32 $0xFFFFFB00  }
0x179: {  	_ =	swait.ge [sflag:s19], $0x500  }
0x17a: {  	[sflag:s19] =	ssyncset.done $0x0  }
0x17b: {  	[sflag:s19] =	ssyncadd.s32 $0xFFFFFB00  }
0x17c: {  	_ =	swait.ge [sflag:s19], $0x500  }
0x17d: {  	[sflag:s19] =	ssyncset.done $0x0  }
0x17e: {  	[sflag:s19] =	ssyncadd.s32 $0xFFFFFB00  }
0x17f: {  	_ =	swait.ge [sflag:s19], $0x500  }
0x180: {  	[sflag:s19] =	ssyncset.done $0x0  }
0x181: {  	[sflag:s19] =	ssyncadd.s32 $0xFFFFFB00  }
0x182: {  	_ =	swait.ge [sflag:s19], $0x500  }
0x183: {  	[sflag:s19] =	ssyncset.done $0x0  }
0x184: {  	[sflag:s19] =	ssyncadd.s32 $0xFFFFFB00  }
0x185: {  	_ =	swait.ge [sflag:s19], $0x500  }
0x186: {  	[sflag:s19] =	ssyncset.done $0x0  }
0x187: {  	[sflag:s19] =	ssyncadd.s32 $0xFFFFFB00  }
0x188: {  	_ =	swait.ge [sflag:s19], $0x500  }
0x189: {  	[sflag:s19] =	ssyncset.done $0x0  }
0x18a: {  	[sflag:s19] =	ssyncadd.s32 $0xFFFFFB00  }
0x18b: {  	_ =	swait.ge [sflag:s19], $0x500  }
0x18c: {  	[sflag:s19] =	ssyncset.done $0x0  }
0x18d: {  	[sflag:s19] =	ssyncadd.s32 $0xFFFFFB00  }
0x18e: {  	_ =	swait.ge [sflag:s19], $0x500  }
0x18f: {  	[sflag:s19] =	ssyncset.done $0x0  }
0x190: {  	[sflag:s19] =	ssyncadd.s32 $0xFFFFFB00  }
0x191: {  	_ =	swait.ge [sflag:s19], $0x500  }
0x192: {  	[sflag:s19] =	ssyncset.done $0x0  }
0x193: {  	[sflag:s19] =	ssyncadd.s32 $0xFFFFFB00  }
0x194: {  	_ =	swait.ge [sflag:s19], $0x500  }
0x195: {  	[sflag:s19] =	ssyncset.done $0x0  }
0x196: {  	[sflag:s19] =	ssyncadd.s32 $0xFFFFFB00  }
0x197: {  	_ =	swait.ge [sflag:s19], $0x500  }
0x198: {  	[sflag:s19] =	ssyncset.done $0x0  }
0x199: {  	[sflag:s19] =	ssyncadd.s32 $0xFFFFFB00  }
0x19a: {  	_ =	swait.ge [sflag:s19], $0x500  }
0x19b: {  	[sflag:s19] =	ssyncset.done $0x0  }
0x19c: {  	[sflag:s19] =	ssyncadd.s32 $0xFFFFFB00  }
0x19d: {  	_ =	swait.ge [sflag:s19], $0x500  }
0x19e: {  	[sflag:s19] =	ssyncset.done $0x0  }
0x19f: {  	[sflag:s19] =	ssyncadd.s32 $0xFFFFFB00  }
0x1a0: {  	_ =	swait.ge [sflag:s19], $0x500  }
0x1a1: {  	[sflag:s19] =	ssyncset.done $0x0  }
0x1a2: {  	[sflag:s19] =	ssyncadd.s32 $0xFFFFFB00  }
0x1a3: {  	_ =	swait.ge [sflag:s19], $0x500  }
0x1a4: {  	[sflag:s19] =	ssyncset.done $0x0  }
0x1a5: {  	[sflag:s19] =	ssyncadd.s32 $0xFFFFFB00  }
0x1a6: {  	_ =	swait.ge [sflag:s19], $0x500  }
0x1a7: {  	[sflag:s19] =	ssyncset.done $0x0  }
0x1a8: {  	[sflag:s19] =	ssyncadd.s32 $0xFFFFFB00  }
0x1a9: {  	_ =	swait.ge [sflag:s19], $0x500  }
0x1aa: {  	[sflag:s19] =	ssyncset.done $0x0  }
0x1ab: {  	[sflag:s19] =	ssyncadd.s32 $0xFFFFFB00  }
0x1ac: {  	_ =	swait.ge [sflag:s19], $0x500  }
0x1ad: {  	[sflag:s19] =	ssyncset.done $0x0  }
0x1ae: {  	[sflag:s19] =	ssyncadd.s32 $0xFFFFFB00  }
0x1af: {  	_ =	swait.ge [sflag:s19], $0x500  }
0x1b0: {  	[sflag:s19] =	ssyncset.done $0x0  }
0x1b1: {  	[sflag:s19] =	ssyncadd.s32 $0xFFFFFB00  }
0x1b2: {  	_ =	swait.ge [sflag:s19], $0x500  }
0x1b3: {  	[sflag:s19] =	ssyncset.done $0x0  }
0x1b4: {  	[sflag:s19] =	ssyncadd.s32 $0xFFFFFB00  }
0x1b5: {  	s21 =	sadd.s32 $0x1, s21;
	_ =	swait.ge [sflag:s19], $0x500  }
0x1b6: {  	p0 =	sne.s32 s21, s8;
	[sflag:s19] =	ssyncset.done $0x0  }
0x1b7: {  	s30 =	sshll.u32 s1, $0x6;
	s31 =	sshrl.u32 s5, $0x3;
	[sflag:s19] =	ssyncadd.s32 $0xFFFFFB00  }
.Ltmp4:
0x1b8: {  	s0 =	sor.u32 $0x1C04, s30;
	[bflag:$0x0] =	sbarrier.arrive $0xFFFF;
	(pc) =	sbr.rel @p0 .LBB2_1-.Ltmp4, $4  }
0x1b9: {  	[hbm:s7@s20], [sflag:s0] =	dma.strided [spmem:s31@s12], $0x9C4, s13, $0x4   }
0x1ba: {  	_ =	swait.ge [sflag:s12], $0x9C4  }
0x1bb: {  	[sflag:s12] =	ssyncset.done $0x0  }
0x1bc: {  	[sflag:s12] =	ssyncadd.s32 $0xFFFFF63C  }
0x1bd: {  	_ =	sfence.sel $0x180000  }
0x1be: {  	[bflag:$0x0] =	sbarrier.arrive $0xFFFF  }
0x1bf: {  	_ =	strace $0x9000004A  }
0x1c0: {  	[bflag:$0x2] =	sbarrier.arrive $0xFFFF  }
0x1c1: {  	p0 =	sne.s32 s1, $0x0;
	s0 =	rddreg [dreg:$0x3]  }
0x1c2: {  	s0 =	sadd.s32 @!p0 $0x100000, s0  }
0x1c3: {  	[sflag:s0] =	ssyncadd.tile.s32 @!p0 $0x1;
	_ =	shalt  }
.Lfunc_end2:
_tile_overlayer_lowered:
.L_overlay_start_2:
0x1c4: {  	(tag) =	ssettag $0x2  }
0x1c5: {  	s0 =	rddreg [dreg:$0x0];
	s2 =	stileid.u32  }
0x1c6: {  	s1 =	rddreg [dreg:$0x1];
	p0 =	sne.s32 s2, $0x0  }
0x1c7: {  	s3 =	rddreg [dreg:$0x2];
	[bflag:$0x3] =	sbarrier.arrive $0xFFFF;
	s2 =	simm.s32 @!p0 $0x1C04  }
0x1c8: {  	[timem:s3], [sflag:s2] =	dma.local @!p0 [hbm:s0], s1  }
0x1c9: {  	s0 =	simm.s32 @!p0 $0x4  }
0x1ca: {  	_ =	swait.ge @!p0 [sflag:s0], s1  }
0x1cb: {  	s1 =	ssub.s32 @!p0 $0x0, s1;
	[sflag:s0] =	ssyncset.done @!p0 $0x0  }
0x1cc: {  	[sflag:s0] =	ssyncadd.s32 @!p0 s1  }
0x1cd: {  	[bflag:$0x3] =	sbarrier.arrive $0xFFFF  }
0x1ce: {  	_ =	shalt  }

</sc_bundles>
